<compile_context>
chip_gen: v7x
topology: tpu7x:2x2x1
jax: 0.10.2.dev20260603
libtpu: 0.0.44.dev20260713+nightly
codegen_flags: <defaults>
</compile_context>

<pallas_src>
import functools

import jax
import jax.numpy as jnp
from jax import lax
from jax.experimental import pallas as pl

N_MOL_DEFAULT = 1000
S_WIN = 64
LANES = 768


def _body(n_valid, n_mol, r_out,
          pos_ref, s_ref, v_ref, idx_ref,
          w1mix_ref, w1s1s_ref, w1s1v_ref, b1s1_ref, w1s2_ref, b1s2_ref,
          w2mix_ref, w2s1m_ref, w2s1v_ref, b2s1_ref, w2s2_ref, b2s2_ref,
          out_ref):
    i = pl.program_id(0)
    blk = s_ref.shape[0]

    @pl.when(i == 0)
    def _init():
        out_ref[...] = jnp.zeros((r_out, LANES), jnp.float32)

    s = s_ref[...]
    v = v_ref[0]
    pos = pos_ref[0]
    w1mix = w1mix_ref[...]

    vmix0 = jnp.dot(v[:, 0:256], w1mix, preferred_element_type=jnp.float32)
    vmix1 = jnp.dot(v[:, 256:512], w1mix, preferred_element_type=jnp.float32)
    vmix2 = jnp.dot(v[:, 512:768], w1mix, preferred_element_type=jnp.float32)
    vV0, vW0 = vmix0[:, :128], vmix0[:, 128:]
    vV1, vW1 = vmix1[:, :128], vmix1[:, 128:]
    vV2, vW2 = vmix2[:, :128], vmix2[:, 128:]
    vVn = jnp.sqrt(vV0 * vV0 + vV1 * vV1 + vV2 * vV2 + 1e-12)

    x = (jnp.dot(s, w1s1s_ref[...], preferred_element_type=jnp.float32)
         + jnp.dot(vVn, w1s1v_ref[...], preferred_element_type=jnp.float32)
         + b1s1_ref[...])
    x = x * jax.nn.sigmoid(x)
    x = jnp.dot(x, w1s2_ref[...], preferred_element_type=jnp.float32) + b1s2_ref[...]
    s1 = x[:, :128]
    s1 = s1 * jax.nn.sigmoid(s1)
    gate1 = x[:, 128:]
    u10 = vW0 * gate1
    u11 = vW1 * gate1
    u12 = vW2 * gate1

    w2c0 = w2mix_ref[0:1, :]
    w2c1 = w2mix_ref[1:2, :]
    q0 = jnp.sum(u10 * w2c0, axis=1, keepdims=True)
    q1 = jnp.sum(u11 * w2c0, axis=1, keepdims=True)
    q2 = jnp.sum(u12 * w2c0, axis=1, keepdims=True)
    r0 = jnp.sum(u10 * w2c1, axis=1, keepdims=True)
    r1 = jnp.sum(u11 * w2c1, axis=1, keepdims=True)
    r2 = jnp.sum(u12 * w2c1, axis=1, keepdims=True)
    vVn2 = jnp.sqrt(q0 * q0 + q1 * q1 + q2 * q2 + 1e-12)

    x2 = (jnp.dot(s1, w2s1m_ref[...], preferred_element_type=jnp.float32)
          + vVn2 * w2s1v_ref[...] + b2s1_ref[...])
    x2 = x2 * jax.nn.sigmoid(x2)
    l0 = (jnp.sum(x2 * w2s2_ref[0:1, :], axis=1, keepdims=True)
          + b2s2_ref[:, 0:1])
    g2 = (jnp.sum(x2 * w2s2_ref[1:2, :], axis=1, keepdims=True)
          + b2s2_ref[:, 1:2])
    a0 = g2 * r0
    a1 = g2 * r1
    a2 = g2 * r2
    p0 = pos[:, 0:1]
    p1 = pos[:, 1:2]
    p2 = pos[:, 2:3]

    c27 = lax.broadcasted_iota(jnp.int32, (1, 27), 1)
    f32 = jnp.float32

    def pick3(x0, x1, x2, sel):
        return (x0 * (sel == 0).astype(f32) + x1 * (sel == 1).astype(f32)
                + x2 * (sel == 2).astype(f32))

    A1 = pick3(a0, a1, a2, c27 // 9)
    A2 = pick3(a0, a1, a2, (c27 // 3) % 3)
    P2 = pick3(p0, p1, p2, (c27 // 3) % 3)
    P3 = pick3(p0, p1, p2, c27 % 3)
    uu = A1 * A2 * P3
    ww = A1 * P2 * P3

    rows = lax.broadcasted_iota(jnp.int32, (27, LANES), 0)
    cols = lax.broadcasted_iota(jnp.int32, (27, LANES), 1)
    in729 = cols < 729
    Rm = (in729 & (cols // 27 == rows)).astype(f32)
    Qm = (in729 & (cols % 27 == rows)).astype(f32)
    c768 = lax.broadcasted_iota(jnp.int32, (1, LANES), 1)
    dmask = ((c768 % 28 == 0) & (c768 < 729)).astype(f32)
    T = (jnp.dot(uu, Rm, preferred_element_type=f32)
         * jnp.dot(ww, Qm, preferred_element_type=f32)
         + l0 * dmask)

    grow = lax.broadcasted_iota(jnp.int32, (blk, 1), 0) + i * blk
    T = T * (grow < n_valid).astype(f32)

    idxr = idx_ref[0]
    m_first = jnp.min(idxr)
    m_last = jnp.max(idxr)
    base = (m_first // 8) * 8
    nk = (m_last - base) // S_WIN + 1

    rows64 = lax.broadcasted_iota(jnp.int32, (S_WIN, blk), 0)

    def win(k, carry):
        base_k = base + k * S_WIN
        E = (rows64 == (idxr - base_k)).astype(f32)
        part = jnp.dot(E, T, preferred_element_type=f32)
        sl = pl.ds(pl.multiple_of(base_k, 8), S_WIN)
        out_ref[sl, :] += part
        return carry

    lax.fori_loop(0, nk, win, 0)


def _run(positions, scalar_representation, vector_representation, idx_m,
         W1_mix, W1_s1, b1_s1, W1_s2, b1_s2,
         W2_mix, W2_s1, b2_s1, W2_s2, b2_s2,
         block=1000, n_mol=N_MOL_DEFAULT, interpret=False):
    n = positions.shape[0]
    nb = -(-n // block)
    npad = nb * block - n
    f32 = jnp.float32

    v2 = vector_representation.reshape(n, 3 * 256)
    s2 = scalar_representation
    pos = positions
    idx = idx_m.astype(jnp.int32)
    if npad:
        v2 = jnp.pad(v2, ((0, npad), (0, 0)))
        s2 = jnp.pad(s2, ((0, npad), (0, 0)))
        pos = jnp.pad(pos, ((0, npad), (0, 0)))
        idx = jnp.pad(idx, (0, npad), constant_values=n_mol - 1)
    ntot = nb * block
    v3 = v2.reshape(nb, block, 3 * 256)
    pos3 = pos.reshape(nb, block, 3)
    idx3 = idx.reshape(nb, 1, block)

    r_out = ((n_mol + 7) // 8 * 8) + S_WIN
    full = lambda shape: pl.BlockSpec(shape, lambda i: (0,) * len(shape))

    grid_spec = pl.GridSpec(
        grid=(nb,),
        in_specs=[
            pl.BlockSpec((1, block, 3), lambda i: (i, 0, 0)),
            pl.BlockSpec((block, 256), lambda i: (i, 0)),
            pl.BlockSpec((1, block, 3 * 256), lambda i: (i, 0, 0)),
            pl.BlockSpec((1, 1, block), lambda i: (i, 0, 0)),
            full((256, 256)),
            full((256, 256)),
            full((128, 256)),
            full((1, 256)),
            full((256, 256)),
            full((1, 256)),
            full((2, 128)),
            full((128, 128)),
            full((1, 128)),
            full((1, 128)),
            full((2, 128)),
            full((1, 2)),
        ],
        out_specs=pl.BlockSpec((r_out, LANES), lambda i: (0, 0)),
    )

    out = pl.pallas_call(
        functools.partial(_body, n, n_mol, r_out),
        grid_spec=grid_spec,
        out_shape=jax.ShapeDtypeStruct((r_out, LANES), f32),
        interpret=interpret,
    )(pos3, s2, v3, idx3,
      W1_mix, W1_s1[:256], W1_s1[256:], b1_s1.reshape(1, 256),
      W1_s2, b1_s2.reshape(1, 256),
      W2_mix.T, W2_s1[:128], W2_s1[128:129], b2_s1.reshape(1, 128),
      W2_s2.T, b2_s2.reshape(1, 2))

    return out[:n_mol, :729].reshape(n_mol * 27, 27)


def kernel(positions, scalar_representation, vector_representation, idx_m,
           W1_mix, W1_s1, b1_s1, W1_s2, b1_s2,
           W2_mix, W2_s1, b2_s1, W2_s2, b2_s2):
    return _run(positions, scalar_representation, vector_representation, idx_m,
                W1_mix, W1_s1, b1_s1, W1_s2, b1_s2,
                W2_mix, W2_s1, b2_s1, W2_s2, b2_s2)

# --- scband reference (transcript-rebuilt; emitter-appended) ---
"""Pipeline reference for scband-hessian-16501264351425 (READ-ONLY COPY).

The authoritative reference and input builder live on the scoring server;
editing this copy changes nothing except your own understanding.
"""

import jax, jax.numpy as jnp
import numpy as np

N_ATOMS = 50000
N_IN = 256
N1 = 128  # max(1, n_in // 2) from build_gated_equivariant_mlp with n_hidden=None, n_layers=2
N_MOL = 1000


def _dense_init(key, fin, fout):
    return (jax.random.normal(key, (fin, fout), dtype=jnp.float32) / np.sqrt(fin)).astype(jnp.float32)


def setup_inputs(seed: int = 0) -> dict:
    key = jax.random.key(seed)
    ks = jax.random.split(key, 12)
    inp = {}
    inp['positions'] = jax.random.normal(ks[0], (N_ATOMS, 3), dtype=jnp.float32)
    inp['scalar_representation'] = jax.random.normal(ks[1], (N_ATOMS, N_IN), dtype=jnp.float32)
    inp['vector_representation'] = jax.random.normal(ks[2], (N_ATOMS, 3, N_IN), dtype=jnp.float32) * 0.1
    idx = jnp.sort(jax.random.randint(ks[3], (N_ATOMS,), 0, N_MOL))
    idx = idx.at[-1].set(N_MOL - 1)  # guarantee maxm == N_MOL like int(idx_m[-1]) + 1
    inp['idx_m'] = idx.astype(jnp.int32)
    # GatedEquivariantBlock 1: n_sin=n_vin=256 -> n_sout=n_vout=128, n_hidden=256, sactivation=silu
    inp['W1_mix'] = _dense_init(ks[4], N_IN, 2 * N1)
    inp['W1_s1'] = _dense_init(ks[5], N_IN + N1, N_IN)
    inp['b1_s1'] = jnp.zeros((N_IN,), jnp.float32)
    inp['W1_s2'] = _dense_init(ks[6], N_IN, 2 * N1)
    inp['b1_s2'] = jnp.zeros((2 * N1,), jnp.float32)
    # GatedEquivariantBlock 2: n_sin=n_vin=128 -> n_sout=n_vout=1, n_hidden=128, no sactivation
    inp['W2_mix'] = _dense_init(ks[7], N1, 2)
    inp['W2_s1'] = _dense_init(ks[8], N1 + 1, N1)
    inp['b2_s1'] = jnp.zeros((N1,), jnp.float32)
    inp['W2_s2'] = _dense_init(ks[9], N1, 2)
    inp['b2_s2'] = jnp.zeros((2,), jnp.float32)
    return inp


def _gated_block(scalars, vectors, Wmix, Ws1, bs1, Ws2, bs2, n_vout, sact):
    vmix = vectors @ Wmix                      # [N, 3, 2*n_vout]
    vV = vmix[..., :n_vout]
    vW = vmix[..., n_vout:]
    vVn = jnp.sqrt(jnp.sum(vV * vV, axis=-2) + 1e-12)  # [N, n_vout]
    ctx = jnp.concatenate([scalars, vVn], axis=-1)
    x = jax.nn.silu(ctx @ Ws1 + bs1)
    x = x @ Ws2 + bs2
    s_out = x[..., :-n_vout]
    gate = x[..., -n_vout:]
    v_out = gate[..., None, :] * vW            # [N, 3, n_vout]
    if sact:
        s_out = jax.nn.silu(s_out)
    return s_out, v_out


def _forward(positions, s, v, idx_m, W1_mix, W1_s1, b1_s1, W1_s2, b1_s2, W2_mix, W2_s1, b2_s1, W2_s2, b2_s2, num_segments):
    l0, l1 = _gated_block(s, v, W1_mix, W1_s1, b1_s1, W1_s2, b1_s2, N1, True)
    l0, l1 = _gated_block(l0, l1, W2_mix, W2_s1, b2_s1, W2_s2, b2_s2, 1, False)
    # scalar_features: expand l0[..., 0:1] to 27 then diag_embed -> [N, 27, 27]
    sf = jnp.broadcast_to(l0[..., 0:1], (l0.shape[0], 27))
    sf = jnp.eye(27, dtype=sf.dtype) * sf[..., None]
    lv = l1[..., None, 0]                      # [N, 3, 1]
    mur = lv * positions[..., None, :]         # [N, 3, 3]
    mur_1 = mur.reshape(-1, 1, 9)
    mur_2 = mur.reshape(-1, 9, 1)
    temp1 = (mur_1 * lv).reshape(-1, 27, 1)
    temp2 = (mur_2 * positions[..., None, :]).reshape(-1, 1, 27)
    temp3 = temp2 * temp1 + sf                 # [N, 27, 27]
    hessian = jax.ops.segment_sum(temp3, idx_m, num_segments=num_segments)  # [maxm, 27, 27]
    return hessian.reshape(-1, 27)


def reference(positions, scalar_representation, vector_representation, idx_m, W1_mix, W1_s1, b1_s1, W1_s2, b1_s2, W2_mix, W2_s1, b2_s1, W2_s2, b2_s2):
    maxm = N_MOL
    return _forward(positions, scalar_representation, vector_representation, idx_m,
                    W1_mix, W1_s1, b1_s1, W1_s2, b1_s2,
                    W2_mix, W2_s1, b2_s1, W2_s2, b2_s2, maxm)

if __name__ == "__main__":
    import jax
    _d = setup_inputs()
    print(jax.jit(kernel)(*tuple(_d.values())))

</pallas_src>

<mosaic_0001>
module attributes {stable_mosaic.version = 14 : i64} {
  func.func @_body(%arg0: i32, %arg1: memref<1x1000x3xf32, #tpu.memory_space<vmem>>, %arg2: memref<1000x256xf32, #tpu.memory_space<vmem>>, %arg3: memref<1x1000x768xf32, #tpu.memory_space<vmem>>, %arg4: memref<1x1x1000xi32, #tpu.memory_space<vmem>>, %arg5: memref<256x256xf32, #tpu.memory_space<vmem>>, %arg6: memref<256x256xf32, #tpu.memory_space<vmem>>, %arg7: memref<128x256xf32, #tpu.memory_space<vmem>>, %arg8: memref<1x256xf32, #tpu.memory_space<vmem>>, %arg9: memref<256x256xf32, #tpu.memory_space<vmem>>, %arg10: memref<1x256xf32, #tpu.memory_space<vmem>>, %arg11: memref<2x128xf32, #tpu.memory_space<vmem>>, %arg12: memref<128x128xf32, #tpu.memory_space<vmem>>, %arg13: memref<1x128xf32, #tpu.memory_space<vmem>>, %arg14: memref<1x128xf32, #tpu.memory_space<vmem>>, %arg15: memref<2x128xf32, #tpu.memory_space<vmem>>, %arg16: memref<1x2xf32, #tpu.memory_space<vmem>>, %arg17: memref<1064x768xf32, #tpu.memory_space<vmem>>) attributes {dimension_semantics = [#tpu.dimension_semantics<arbitrary>], iteration_bounds = array<i64: 50>, scalar_prefetch = 0 : i64, scratch_operands = 0 : i64, tpu.core_type = #tpu.core_type<tc>, window_params = [{transform_indices = @transform_0, window_bounds = array<i64: 1, 1000, 3>}, {transform_indices = @transform_1, window_bounds = array<i64: 1000, 256>}, {transform_indices = @transform_2, window_bounds = array<i64: 1, 1000, 768>}, {transform_indices = @transform_3, window_bounds = array<i64: 1, 1, 1000>}, {pipeline_mode = #tpu.pipeline_mode<synchronous>, transform_indices = @transform_4, window_bounds = array<i64: 256, 256>}, {pipeline_mode = #tpu.pipeline_mode<synchronous>, transform_indices = @transform_5, window_bounds = array<i64: 256, 256>}, {pipeline_mode = #tpu.pipeline_mode<synchronous>, transform_indices = @transform_6, window_bounds = array<i64: 128, 256>}, {pipeline_mode = #tpu.pipeline_mode<synchronous>, transform_indices = @transform_7, window_bounds = array<i64: 1, 256>}, {pipeline_mode = #tpu.pipeline_mode<synchronous>, transform_indices = @transform_8, window_bounds = array<i64: 256, 256>}, {pipeline_mode = #tpu.pipeline_mode<synchronous>, transform_indices = @transform_9, window_bounds = array<i64: 1, 256>}, {pipeline_mode = #tpu.pipeline_mode<synchronous>, transform_indices = @transform_10, window_bounds = array<i64: 2, 128>}, {pipeline_mode = #tpu.pipeline_mode<synchronous>, transform_indices = @transform_11, window_bounds = array<i64: 128, 128>}, {pipeline_mode = #tpu.pipeline_mode<synchronous>, transform_indices = @transform_12, window_bounds = array<i64: 1, 128>}, {pipeline_mode = #tpu.pipeline_mode<synchronous>, transform_indices = @transform_13, window_bounds = array<i64: 1, 128>}, {pipeline_mode = #tpu.pipeline_mode<synchronous>, transform_indices = @transform_14, window_bounds = array<i64: 2, 128>}, {pipeline_mode = #tpu.pipeline_mode<synchronous>, transform_indices = @transform_15, window_bounds = array<i64: 1, 2>}, {pipeline_mode = #tpu.pipeline_mode<synchronous>, transform_indices = @transform_16, window_bounds = array<i64: 1064, 768>}]} {
    %eq3A = arith.constant 0 : i32
    %eq3A_0 = arith.cmpi eq, %arg0, %eq3A : i32
    %convert_element_type3A = arith.extui %eq3A_0 : i1 to i32
    %cond3A = arith.constant 0 : i32
    %cond3A_1 = arith.cmpi ne, %convert_element_type3A, %cond3A : i32
    scf.if %cond3A_1 {
      %broadcast_in_dim3A_632 = arith.constant 0.000000e+00 : f32
      %broadcast_in_dim3A_633 = vector.broadcast %broadcast_in_dim3A_632 : f32 to vector<1064x768xf32>
      %swap3A = arith.constant 0 : index
      %swap3A_634 = arith.constant 0 : index
      %swap3A_635 = vector.load %arg17[%swap3A, %swap3A_634] : memref<1064x768xf32, #tpu.memory_space<vmem>>, vector<1064x768xf32>
      tpu.vector_store %arg17[%swap3A, %swap3A_634], %broadcast_in_dim3A_633 {strides = array<i32>} : memref<1064x768xf32, #tpu.memory_space<vmem>>, vector<1064x768xf32>,
    } else {
    }
    %get3A = arith.constant 0 : index
    %get3A_2 = arith.constant 0 : index
    %get3A_3 = vector.load %arg2[%get3A, %get3A_2] : memref<1000x256xf32, #tpu.memory_space<vmem>>, vector<1000x256xf32>
    %get3A_4 = arith.constant 0 : index
    %get3A_5 = arith.constant 0 : index
    %get3A_6 = arith.constant 0 : index
    %get3A_7 = vector.load %arg3[%get3A_4, %get3A_5, %get3A_6] : memref<1x1000x768xf32, #tpu.memory_space<vmem>>, vector<1x1000x768xf32>
    %get3A_8 = vector.shape_cast %get3A_7 : vector<1x1000x768xf32> to vector<1000x768xf32>
    %get3A_9 = arith.constant 0 : index
    %get3A_10 = arith.constant 0 : index
    %get3A_11 = arith.constant 0 : index
    %get3A_12 = vector.load %arg1[%get3A_9, %get3A_10, %get3A_11] : memref<1x1000x3xf32, #tpu.memory_space<vmem>>, vector<1x1000x3xf32>
    %get3A_13 = vector.shape_cast %get3A_12 : vector<1x1000x3xf32> to vector<1000x3xf32>
    %get3A_14 = arith.constant 0 : index
    %get3A_15 = arith.constant 0 : index
    %get3A_16 = vector.load %arg5[%get3A_14, %get3A_15] : memref<256x256xf32, #tpu.memory_space<vmem>>, vector<256x256xf32>
    %slice3A = vector.extract_strided_slice %get3A_8 {offsets = [0, 0], sizes = [1000, 256], strides = [1, 1]} : vector<1000x768xf32> to vector<1000x256xf32>
    %dot_general3A = arith.constant dense<0.000000e+00> : vector<1000x256xf32>
    %dot_general3A_17 = tpu.matmul %slice3A, %get3A_16, %dot_general3A {dimension_numbers = #tpu.dot_dimension_numbers<[1], [0], [0], [1], [0, 0, 1, 1], [], []>, transpose_lhs_hint = false} : vector<1000x256xf32>, vector<256x256xf32>, vector<1000x256xf32> -> vector<1000x256xf32>
    %slice3A_18 = vector.extract_strided_slice %get3A_8 {offsets = [0, 256], sizes = [1000, 256], strides = [1, 1]} : vector<1000x768xf32> to vector<1000x256xf32>
    %dot_general3A_19 = arith.constant dense<0.000000e+00> : vector<1000x256xf32>
    %dot_general3A_20 = tpu.matmul %slice3A_18, %get3A_16, %dot_general3A_19 {dimension_numbers = #tpu.dot_dimension_numbers<[1], [0], [0], [1], [0, 0, 1, 1], [], []>, transpose_lhs_hint = false} : vector<1000x256xf32>, vector<256x256xf32>, vector<1000x256xf32> -> vector<1000x256xf32>
    %slice3A_21 = vector.extract_strided_slice %get3A_8 {offsets = [0, 512], sizes = [1000, 256], strides = [1, 1]} : vector<1000x768xf32> to vector<1000x256xf32>
    %dot_general3A_22 = arith.constant dense<0.000000e+00> : vector<1000x256xf32>
    %dot_general3A_23 = tpu.matmul %slice3A_21, %get3A_16, %dot_general3A_22 {dimension_numbers = #tpu.dot_dimension_numbers<[1], [0], [0], [1], [0, 0, 1, 1], [], []>, transpose_lhs_hint = false} : vector<1000x256xf32>, vector<256x256xf32>, vector<1000x256xf32> -> vector<1000x256xf32>
    %slice3A_24 = vector.extract_strided_slice %dot_general3A_17 {offsets = [0, 0], sizes = [1000, 128], strides = [1, 1]} : vector<1000x256xf32> to vector<1000x128xf32>
    %slice3A_25 = vector.extract_strided_slice %dot_general3A_17 {offsets = [0, 128], sizes = [1000, 128], strides = [1, 1]} : vector<1000x256xf32> to vector<1000x128xf32>
    %slice3A_26 = vector.extract_strided_slice %dot_general3A_20 {offsets = [0, 0], sizes = [1000, 128], strides = [1, 1]} : vector<1000x256xf32> to vector<1000x128xf32>
    %slice3A_27 = vector.extract_strided_slice %dot_general3A_20 {offsets = [0, 128], sizes = [1000, 128], strides = [1, 1]} : vector<1000x256xf32> to vector<1000x128xf32>
    %slice3A_28 = vector.extract_strided_slice %dot_general3A_23 {offsets = [0, 0], sizes = [1000, 128], strides = [1, 1]} : vector<1000x256xf32> to vector<1000x128xf32>
    %slice3A_29 = vector.extract_strided_slice %dot_general3A_23 {offsets = [0, 128], sizes = [1000, 128], strides = [1, 1]} : vector<1000x256xf32> to vector<1000x128xf32>
    %mul3A = arith.mulf %slice3A_24, %slice3A_24 : vector<1000x128xf32>
    %mul3A_30 = arith.mulf %slice3A_26, %slice3A_26 : vector<1000x128xf32>
    %add3A = arith.addf %mul3A, %mul3A_30 : vector<1000x128xf32>
    %mul3A_31 = arith.mulf %slice3A_28, %slice3A_28 : vector<1000x128xf32>
    %add3A_32 = arith.addf %add3A, %mul3A_31 : vector<1000x128xf32>
    %add3A_33 = arith.constant 9.99999996E-13 : f32
    %add3A_34 = vector.broadcast %add3A_33 : f32 to vector<1000x128xf32>
    %add3A_35 = arith.addf %add3A_32, %add3A_34 : vector<1000x128xf32>
    %sqrt3A = math.sqrt %add3A_35 : vector<1000x128xf32>
    %get3A_36 = arith.constant 0 : index
    %get3A_37 = arith.constant 0 : index
    %get3A_38 = vector.load %arg6[%get3A_36, %get3A_37] : memref<256x256xf32, #tpu.memory_space<vmem>>, vector<256x256xf32>
    %dot_general3A_39 = arith.constant dense<0.000000e+00> : vector<1000x256xf32>
    %dot_general3A_40 = tpu.matmul %get3A_3, %get3A_38, %dot_general3A_39 {dimension_numbers = #tpu.dot_dimension_numbers<[1], [0], [0], [1], [0, 0, 1, 1], [], []>, transpose_lhs_hint = false} : vector<1000x256xf32>, vector<256x256xf32>, vector<1000x256xf32> -> vector<1000x256xf32>
    %get3A_41 = arith.constant 0 : index
    %get3A_42 = arith.constant 0 : index
    %get3A_43 = vector.load %arg7[%get3A_41, %get3A_42] : memref<128x256xf32, #tpu.memory_space<vmem>>, vector<128x256xf32>
    %dot_general3A_44 = arith.constant dense<0.000000e+00> : vector<1000x256xf32>
    %dot_general3A_45 = tpu.matmul %sqrt3A, %get3A_43, %dot_general3A_44 {dimension_numbers = #tpu.dot_dimension_numbers<[1], [0], [0], [1], [0, 0, 1, 1], [], []>, transpose_lhs_hint = false} : vector<1000x128xf32>, vector<128x256xf32>, vector<1000x256xf32> -> vector<1000x256xf32>
    %add3A_46 = arith.addf %dot_general3A_40, %dot_general3A_45 : vector<1000x256xf32>
    %get3A_47 = arith.constant 0 : index
    %get3A_48 = arith.constant 0 : index
    %get3A_49 = vector.load %arg8[%get3A_47, %get3A_48] : memref<1x256xf32, #tpu.memory_space<vmem>>, vector<1x256xf32>
    %add3A_50 = vector.broadcast %get3A_49 : vector<1x256xf32> to vector<1000x256xf32>
    %add3A_51 = arith.addf %add3A_46, %add3A_50 : vector<1000x256xf32>
    %logistic3A = arith.negf %add3A_51 : vector<1000x256xf32>
    %logistic3A_52 = math.exp %logistic3A : vector<1000x256xf32>
    %logistic3A_53 = arith.constant 1.000000e+00 : f32
    %logistic3A_54 = vector.broadcast %logistic3A_53 : f32 to vector<1000x256xf32>
    %logistic3A_55 = arith.addf %logistic3A_54, %logistic3A_52 : vector<1000x256xf32>
    %logistic3A_56 = arith.divf %logistic3A_54, %logistic3A_55 : vector<1000x256xf32>
    %mul3A_57 = arith.mulf %add3A_51, %logistic3A_56 : vector<1000x256xf32>
    %get3A_58 = arith.constant 0 : index
    %get3A_59 = arith.constant 0 : index
    %get3A_60 = vector.load %arg9[%get3A_58, %get3A_59] : memref<256x256xf32, #tpu.memory_space<vmem>>, vector<256x256xf32>
    %dot_general3A_61 = arith.constant dense<0.000000e+00> : vector<1000x256xf32>
    %dot_general3A_62 = tpu.matmul %mul3A_57, %get3A_60, %dot_general3A_61 {dimension_numbers = #tpu.dot_dimension_numbers<[1], [0], [0], [1], [0, 0, 1, 1], [], []>, transpose_lhs_hint = false} : vector<1000x256xf32>, vector<256x256xf32>, vector<1000x256xf32> -> vector<1000x256xf32>
    %get3A_63 = arith.constant 0 : index
    %get3A_64 = arith.constant 0 : index
    %get3A_65 = vector.load %arg10[%get3A_63, %get3A_64] : memref<1x256xf32, #tpu.memory_space<vmem>>, vector<1x256xf32>
    %add3A_66 = vector.broadcast %get3A_65 : vector<1x256xf32> to vector<1000x256xf32>
    %add3A_67 = arith.addf %dot_general3A_62, %add3A_66 : vector<1000x256xf32>
    %slice3A_68 = vector.extract_strided_slice %add3A_67 {offsets = [0, 0], sizes = [1000, 128], strides = [1, 1]} : vector<1000x256xf32> to vector<1000x128xf32>
    %logistic3A_69 = arith.negf %slice3A_68 : vector<1000x128xf32>
    %logistic3A_70 = math.exp %logistic3A_69 : vector<1000x128xf32>
    %logistic3A_71 = arith.constant 1.000000e+00 : f32
    %logistic3A_72 = vector.broadcast %logistic3A_71 : f32 to vector<1000x128xf32>
    %logistic3A_73 = arith.addf %logistic3A_72, %logistic3A_70 : vector<1000x128xf32>
    %logistic3A_74 = arith.divf %logistic3A_72, %logistic3A_73 : vector<1000x128xf32>
    %mul3A_75 = arith.mulf %slice3A_68, %logistic3A_74 : vector<1000x128xf32>
    %slice3A_76 = vector.extract_strided_slice %add3A_67 {offsets = [0, 128], sizes = [1000, 128], strides = [1, 1]} : vector<1000x256xf32> to vector<1000x128xf32>
    %mul3A_77 = arith.mulf %slice3A_25, %slice3A_76 : vector<1000x128xf32>
    %mul3A_78 = arith.mulf %slice3A_27, %slice3A_76 : vector<1000x128xf32>
    %mul3A_79 = arith.mulf %slice3A_29, %slice3A_76 : vector<1000x128xf32>
    %get3A_80 = arith.constant 0 : index
    %get3A_81 = arith.constant 0 : index
    %get3A_82 = vector.load %arg11[%get3A_80, %get3A_81] : memref<2x128xf32, #tpu.memory_space<vmem>>, vector<1x128xf32>
    %get3A_83 = arith.constant 1 : index
    %get3A_84 = arith.constant 0 : index
    %get3A_85 = vector.load %arg11[%get3A_83, %get3A_84] : memref<2x128xf32, #tpu.memory_space<vmem>>, vector<1x128xf32>
    %mul3A_86 = vector.broadcast %get3A_82 : vector<1x128xf32> to vector<1000x128xf32>
    %mul3A_87 = arith.mulf %mul3A_77, %mul3A_86 : vector<1000x128xf32>
    %reduce_sum3A = arith.constant dense<0.000000e+00> : vector<1000xf32>
    %reduce_sum3A_88 = vector.multi_reduction <add>, %mul3A_87, %reduce_sum3A [1] : vector<1000x128xf32> to vector<1000xf32>
    %broadcast_in_dim3A = vector.shape_cast %reduce_sum3A_88 : vector<1000xf32> to vector<1000x1xf32>
    %mul3A_89 = vector.broadcast %get3A_82 : vector<1x128xf32> to vector<1000x128xf32>
    %mul3A_90 = arith.mulf %mul3A_78, %mul3A_89 : vector<1000x128xf32>
    %reduce_sum3A_91 = arith.constant dense<0.000000e+00> : vector<1000xf32>
    %reduce_sum3A_92 = vector.multi_reduction <add>, %mul3A_90, %reduce_sum3A_91 [1] : vector<1000x128xf32> to vector<1000xf32>
    %broadcast_in_dim3A_93 = vector.shape_cast %reduce_sum3A_92 : vector<1000xf32> to vector<1000x1xf32>
    %mul3A_94 = vector.broadcast %get3A_82 : vector<1x128xf32> to vector<1000x128xf32>
    %mul3A_95 = arith.mulf %mul3A_79, %mul3A_94 : vector<1000x128xf32>
    %reduce_sum3A_96 = arith.constant dense<0.000000e+00> : vector<1000xf32>
    %reduce_sum3A_97 = vector.multi_reduction <add>, %mul3A_95, %reduce_sum3A_96 [1] : vector<1000x128xf32> to vector<1000xf32>
    %broadcast_in_dim3A_98 = vector.shape_cast %reduce_sum3A_97 : vector<1000xf32> to vector<1000x1xf32>
    %mul3A_99 = vector.broadcast %get3A_85 : vector<1x128xf32> to vector<1000x128xf32>
    %mul3A_100 = arith.mulf %mul3A_77, %mul3A_99 : vector<1000x128xf32>
    %reduce_sum3A_101 = arith.constant dense<0.000000e+00> : vector<1000xf32>
    %reduce_sum3A_102 = vector.multi_reduction <add>, %mul3A_100, %reduce_sum3A_101 [1] : vector<1000x128xf32> to vector<1000xf32>
    %broadcast_in_dim3A_103 = vector.shape_cast %reduce_sum3A_102 : vector<1000xf32> to vector<1000x1xf32>
    %mul3A_104 = vector.broadcast %get3A_85 : vector<1x128xf32> to vector<1000x128xf32>
    %mul3A_105 = arith.mulf %mul3A_78, %mul3A_104 : vector<1000x128xf32>
    %reduce_sum3A_106 = arith.constant dense<0.000000e+00> : vector<1000xf32>
    %reduce_sum3A_107 = vector.multi_reduction <add>, %mul3A_105, %reduce_sum3A_106 [1] : vector<1000x128xf32> to vector<1000xf32>
    %broadcast_in_dim3A_108 = vector.shape_cast %reduce_sum3A_107 : vector<1000xf32> to vector<1000x1xf32>
    %mul3A_109 = vector.broadcast %get3A_85 : vector<1x128xf32> to vector<1000x128xf32>
    %mul3A_110 = arith.mulf %mul3A_79, %mul3A_109 : vector<1000x128xf32>
    %reduce_sum3A_111 = arith.constant dense<0.000000e+00> : vector<1000xf32>
    %reduce_sum3A_112 = vector.multi_reduction <add>, %mul3A_110, %reduce_sum3A_111 [1] : vector<1000x128xf32> to vector<1000xf32>
    %broadcast_in_dim3A_113 = vector.shape_cast %reduce_sum3A_112 : vector<1000xf32> to vector<1000x1xf32>
    %mul3A_114 = arith.mulf %broadcast_in_dim3A, %broadcast_in_dim3A : vector<1000x1xf32>
    %mul3A_115 = arith.mulf %broadcast_in_dim3A_93, %broadcast_in_dim3A_93 : vector<1000x1xf32>
    %add3A_116 = arith.addf %mul3A_114, %mul3A_115 : vector<1000x1xf32>
    %mul3A_117 = arith.mulf %broadcast_in_dim3A_98, %broadcast_in_dim3A_98 : vector<1000x1xf32>
    %add3A_118 = arith.addf %add3A_116, %mul3A_117 : vector<1000x1xf32>
    %add3A_119 = arith.constant 9.99999996E-13 : f32
    %add3A_120 = vector.broadcast %add3A_119 : f32 to vector<1000x1xf32>
    %add3A_121 = arith.addf %add3A_118, %add3A_120 : vector<1000x1xf32>
    %sqrt3A_122 = math.sqrt %add3A_121 : vector<1000x1xf32>
    %get3A_123 = arith.constant 0 : index
    %get3A_124 = arith.constant 0 : index
    %get3A_125 = vector.load %arg12[%get3A_123, %get3A_124] : memref<128x128xf32, #tpu.memory_space<vmem>>, vector<128x128xf32>
    %dot_general3A_126 = arith.constant dense<0.000000e+00> : vector<1000x128xf32>
    %dot_general3A_127 = tpu.matmul %mul3A_75, %get3A_125, %dot_general3A_126 {dimension_numbers = #tpu.dot_dimension_numbers<[1], [0], [0], [1], [0, 0, 1, 1], [], []>, transpose_lhs_hint = false} : vector<1000x128xf32>, vector<128x128xf32>, vector<1000x128xf32> -> vector<1000x128xf32>
    %get3A_128 = arith.constant 0 : index
    %get3A_129 = arith.constant 0 : index
    %get3A_130 = vector.load %arg13[%get3A_128, %get3A_129] : memref<1x128xf32, #tpu.memory_space<vmem>>, vector<1x128xf32>
    %mul3A_131 = vector.broadcast %sqrt3A_122 : vector<1000x1xf32> to vector<1000x128xf32>
    %mul3A_132 = vector.broadcast %get3A_130 : vector<1x128xf32> to vector<1000x128xf32>
    %mul3A_133 = arith.mulf %mul3A_131, %mul3A_132 : vector<1000x128xf32>
    %add3A_134 = arith.addf %dot_general3A_127, %mul3A_133 : vector<1000x128xf32>
    %get3A_135 = arith.constant 0 : index
    %get3A_136 = arith.constant 0 : index
    %get3A_137 = vector.load %arg14[%get3A_135, %get3A_136] : memref<1x128xf32, #tpu.memory_space<vmem>>, vector<1x128xf32>
    %add3A_138 = vector.broadcast %get3A_137 : vector<1x128xf32> to vector<1000x128xf32>
    %add3A_139 = arith.addf %add3A_134, %add3A_138 : vector<1000x128xf32>
    %logistic3A_140 = arith.negf %add3A_139 : vector<1000x128xf32>
    %logistic3A_141 = math.exp %logistic3A_140 : vector<1000x128xf32>
    %logistic3A_142 = arith.constant 1.000000e+00 : f32
    %logistic3A_143 = vector.broadcast %logistic3A_142 : f32 to vector<1000x128xf32>
    %logistic3A_144 = arith.addf %logistic3A_143, %logistic3A_141 : vector<1000x128xf32>
    %logistic3A_145 = arith.divf %logistic3A_143, %logistic3A_144 : vector<1000x128xf32>
    %mul3A_146 = arith.mulf %add3A_139, %logistic3A_145 : vector<1000x128xf32>
    %get3A_147 = arith.constant 0 : index
    %get3A_148 = arith.constant 0 : index
    %get3A_149 = vector.load %arg15[%get3A_147, %get3A_148] : memref<2x128xf32, #tpu.memory_space<vmem>>, vector<1x128xf32>
    %mul3A_150 = vector.broadcast %get3A_149 : vector<1x128xf32> to vector<1000x128xf32>
    %mul3A_151 = arith.mulf %mul3A_146, %mul3A_150 : vector<1000x128xf32>
    %reduce_sum3A_152 = arith.constant dense<0.000000e+00> : vector<1000xf32>
    %reduce_sum3A_153 = vector.multi_reduction <add>, %mul3A_151, %reduce_sum3A_152 [1] : vector<1000x128xf32> to vector<1000xf32>
    %broadcast_in_dim3A_154 = vector.shape_cast %reduce_sum3A_153 : vector<1000xf32> to vector<1000x1xf32>
    %get3A_155 = arith.constant 0 : index
    %get3A_156 = arith.constant 0 : index
    %get3A_157 = vector.load %arg16[%get3A_155, %get3A_156] : memref<1x2xf32, #tpu.memory_space<vmem>>, vector<1x1xf32>
    %add3A_158 = vector.broadcast %get3A_157 : vector<1x1xf32> to vector<1000x1xf32>
    %add3A_159 = arith.addf %broadcast_in_dim3A_154, %add3A_158 : vector<1000x1xf32>
    %get3A_160 = arith.constant 1 : index
    %get3A_161 = arith.constant 0 : index
    %get3A_162 = vector.load %arg15[%get3A_160, %get3A_161] : memref<2x128xf32, #tpu.memory_space<vmem>>, vector<1x128xf32>
    %mul3A_163 = vector.broadcast %get3A_162 : vector<1x128xf32> to vector<1000x128xf32>
    %mul3A_164 = arith.mulf %mul3A_146, %mul3A_163 : vector<1000x128xf32>
    %reduce_sum3A_165 = arith.constant dense<0.000000e+00> : vector<1000xf32>
    %reduce_sum3A_166 = vector.multi_reduction <add>, %mul3A_164, %reduce_sum3A_165 [1] : vector<1000x128xf32> to vector<1000xf32>
    %broadcast_in_dim3A_167 = vector.shape_cast %reduce_sum3A_166 : vector<1000xf32> to vector<1000x1xf32>
    %get3A_168 = arith.constant 0 : index
    %get3A_169 = arith.constant 1 : index
    %get3A_170 = vector.load %arg16[%get3A_168, %get3A_169] : memref<1x2xf32, #tpu.memory_space<vmem>>, vector<1x1xf32>
    %add3A_171 = vector.broadcast %get3A_170 : vector<1x1xf32> to vector<1000x1xf32>
    %add3A_172 = arith.addf %broadcast_in_dim3A_167, %add3A_171 : vector<1000x1xf32>
    %mul3A_173 = arith.mulf %add3A_172, %broadcast_in_dim3A_103 : vector<1000x1xf32>
    %mul3A_174 = arith.mulf %add3A_172, %broadcast_in_dim3A_108 : vector<1000x1xf32>
    %mul3A_175 = arith.mulf %add3A_172, %broadcast_in_dim3A_113 : vector<1000x1xf32>
    %slice3A_176 = vector.extract_strided_slice %get3A_13 {offsets = [0, 0], sizes = [1000, 1], strides = [1, 1]} : vector<1000x3xf32> to vector<1000x1xf32>
    %slice3A_177 = vector.extract_strided_slice %get3A_13 {offsets = [0, 1], sizes = [1000, 1], strides = [1, 1]} : vector<1000x3xf32> to vector<1000x1xf32>
    %slice3A_178 = vector.extract_strided_slice %get3A_13 {offsets = [0, 2], sizes = [1000, 1], strides = [1, 1]} : vector<1000x3xf32> to vector<1000x1xf32>
    %iota3A = tpu.iota {dimensions = array<i32: 1>} : vector<1x27xi32>
    %jit3A = arith.constant 9 : i32
    %div3A = vector.broadcast %jit3A : i32 to vector<1x27xi32>
    %div3A_179 = arith.divsi %iota3A, %div3A : vector<1x27xi32>
    %sign3A = arith.constant 0 : i32
    %sign3A_180 = vector.broadcast %sign3A : i32 to vector<1x27xi32>
    %sign3A_181 = arith.cmpi sgt, %iota3A, %sign3A_180 : vector<1x27xi32>
    %sign3A_182 = arith.extui %sign3A_181 : vector<1x27xi1> to vector<1x27xi32>
    %sign3A_183 = arith.constant 0 : i32
    %sign3A_184 = vector.broadcast %sign3A_183 : i32 to vector<1x27xi32>
    %sign3A_185 = arith.cmpi slt, %iota3A, %sign3A_184 : vector<1x27xi32>
    %sign3A_186 = arith.extui %sign3A_185 : vector<1x27xi1> to vector<1x27xi32>
    %sign3A_187 = arith.subi %sign3A_182, %sign3A_186 : vector<1x27xi32>
    %sign3A_188 = arith.constant 0 : i32
    %sign3A_189 = arith.cmpi sgt, %jit3A, %sign3A_188 : i32
    %sign3A_190 = arith.extui %sign3A_189 : i1 to i32
    %sign3A_191 = arith.constant 0 : i32
    %sign3A_192 = arith.cmpi slt, %jit3A, %sign3A_191 : i32
    %sign3A_193 = arith.extui %sign3A_192 : i1 to i32
    %sign3A_194 = arith.subi %sign3A_190, %sign3A_193 : i32
    %ne3A = vector.broadcast %sign3A_194 : i32 to vector<1x27xi32>
    %ne3A_195 = arith.cmpi ne, %sign3A_187, %ne3A : vector<1x27xi32>
    %rem3A = vector.broadcast %jit3A : i32 to vector<1x27xi32>
    %rem3A_196 = arith.remsi %iota3A, %rem3A : vector<1x27xi32>
    %ne3A_197 = arith.constant 0 : i32
    %ne3A_198 = vector.broadcast %ne3A_197 : i32 to vector<1x27xi32>
    %ne3A_199 = arith.cmpi ne, %rem3A_196, %ne3A_198 : vector<1x27xi32>
    %and3A = arith.andi %ne3A_195, %ne3A_199 : vector<1x27xi1>
    %sub3A = arith.constant 1 : i32
    %sub3A_200 = vector.broadcast %sub3A : i32 to vector<1x27xi32>
    %sub3A_201 = arith.subi %div3A_179, %sub3A_200 : vector<1x27xi32>
    %select_n3A = arith.select %and3A, %sub3A_201, %div3A_179 : vector<1x27xi1>, vector<1x27xi32>
    %eq3A_202 = arith.constant 0 : i32
    %eq3A_203 = vector.broadcast %eq3A_202 : i32 to vector<1x27xi32>
    %eq3A_204 = arith.cmpi eq, %select_n3A, %eq3A_203 : vector<1x27xi32>
    %convert_element_type3A_205 = arith.extui %eq3A_204 : vector<1x27xi1> to vector<1x27xi32>
    %convert_element_type3A_206 = arith.sitofp %convert_element_type3A_205 : vector<1x27xi32> to vector<1x27xf32>
    %mul3A_207 = vector.broadcast %mul3A_173 : vector<1000x1xf32> to vector<1000x27xf32>
    %mul3A_208 = vector.broadcast %convert_element_type3A_206 : vector<1x27xf32> to vector<1000x27xf32>
    %mul3A_209 = arith.mulf %mul3A_207, %mul3A_208 : vector<1000x27xf32>
    %eq3A_210 = arith.constant 1 : i32
    %eq3A_211 = vector.broadcast %eq3A_210 : i32 to vector<1x27xi32>
    %eq3A_212 = arith.cmpi eq, %select_n3A, %eq3A_211 : vector<1x27xi32>
    %convert_element_type3A_213 = arith.extui %eq3A_212 : vector<1x27xi1> to vector<1x27xi32>
    %convert_element_type3A_214 = arith.sitofp %convert_element_type3A_213 : vector<1x27xi32> to vector<1x27xf32>
    %mul3A_215 = vector.broadcast %mul3A_174 : vector<1000x1xf32> to vector<1000x27xf32>
    %mul3A_216 = vector.broadcast %convert_element_type3A_214 : vector<1x27xf32> to vector<1000x27xf32>
    %mul3A_217 = arith.mulf %mul3A_215, %mul3A_216 : vector<1000x27xf32>
    %add3A_218 = arith.addf %mul3A_209, %mul3A_217 : vector<1000x27xf32>
    %eq3A_219 = arith.constant 2 : i32
    %eq3A_220 = vector.broadcast %eq3A_219 : i32 to vector<1x27xi32>
    %eq3A_221 = arith.cmpi eq, %select_n3A, %eq3A_220 : vector<1x27xi32>
    %convert_element_type3A_222 = arith.extui %eq3A_221 : vector<1x27xi1> to vector<1x27xi32>
    %convert_element_type3A_223 = arith.sitofp %convert_element_type3A_222 : vector<1x27xi32> to vector<1x27xf32>
    %mul3A_224 = vector.broadcast %mul3A_175 : vector<1000x1xf32> to vector<1000x27xf32>
    %mul3A_225 = vector.broadcast %convert_element_type3A_223 : vector<1x27xf32> to vector<1000x27xf32>
    %mul3A_226 = arith.mulf %mul3A_224, %mul3A_225 : vector<1000x27xf32>
    %add3A_227 = arith.addf %add3A_218, %mul3A_226 : vector<1000x27xf32>
    %jit3A_228 = arith.constant 3 : i32
    %div3A_229 = vector.broadcast %jit3A_228 : i32 to vector<1x27xi32>
    %div3A_230 = arith.divsi %iota3A, %div3A_229 : vector<1x27xi32>
    %sign3A_231 = arith.constant 0 : i32
    %sign3A_232 = vector.broadcast %sign3A_231 : i32 to vector<1x27xi32>
    %sign3A_233 = arith.cmpi sgt, %iota3A, %sign3A_232 : vector<1x27xi32>
    %sign3A_234 = arith.extui %sign3A_233 : vector<1x27xi1> to vector<1x27xi32>
    %sign3A_235 = arith.constant 0 : i32
    %sign3A_236 = vector.broadcast %sign3A_235 : i32 to vector<1x27xi32>
    %sign3A_237 = arith.cmpi slt, %iota3A, %sign3A_236 : vector<1x27xi32>
    %sign3A_238 = arith.extui %sign3A_237 : vector<1x27xi1> to vector<1x27xi32>
    %sign3A_239 = arith.subi %sign3A_234, %sign3A_238 : vector<1x27xi32>
    %sign3A_240 = arith.constant 0 : i32
    %sign3A_241 = arith.cmpi sgt, %jit3A_228, %sign3A_240 : i32
    %sign3A_242 = arith.extui %sign3A_241 : i1 to i32
    %sign3A_243 = arith.constant 0 : i32
    %sign3A_244 = arith.cmpi slt, %jit3A_228, %sign3A_243 : i32
    %sign3A_245 = arith.extui %sign3A_244 : i1 to i32
    %sign3A_246 = arith.subi %sign3A_242, %sign3A_245 : i32
    %ne3A_247 = vector.broadcast %sign3A_246 : i32 to vector<1x27xi32>
    %ne3A_248 = arith.cmpi ne, %sign3A_239, %ne3A_247 : vector<1x27xi32>
    %rem3A_249 = vector.broadcast %jit3A_228 : i32 to vector<1x27xi32>
    %rem3A_250 = arith.remsi %iota3A, %rem3A_249 : vector<1x27xi32>
    %ne3A_251 = arith.constant 0 : i32
    %ne3A_252 = vector.broadcast %ne3A_251 : i32 to vector<1x27xi32>
    %ne3A_253 = arith.cmpi ne, %rem3A_250, %ne3A_252 : vector<1x27xi32>
    %and3A_254 = arith.andi %ne3A_248, %ne3A_253 : vector<1x27xi1>
    %sub3A_255 = arith.constant 1 : i32
    %sub3A_256 = vector.broadcast %sub3A_255 : i32 to vector<1x27xi32>
    %sub3A_257 = arith.subi %div3A_230, %sub3A_256 : vector<1x27xi32>
    %select_n3A_258 = arith.select %and3A_254, %sub3A_257, %div3A_230 : vector<1x27xi1>, vector<1x27xi32>
    %jit3A_259 = arith.constant 3 : i32
    %eq3A_260 = arith.constant 0 : i32
    %eq3A_261 = arith.cmpi eq, %jit3A_259, %eq3A_260 : i32
    %jit3A_262 = arith.constant 1 : i32
    %select_n3A_263 = arith.select %eq3A_261, %jit3A_262, %jit3A_259 : i32
    %rem3A_264 = vector.broadcast %select_n3A_263 : i32 to vector<1x27xi32>
    %rem3A_265 = arith.remsi %select_n3A_258, %rem3A_264 : vector<1x27xi32>
    %ne3A_266 = arith.constant 0 : i32
    %ne3A_267 = vector.broadcast %ne3A_266 : i32 to vector<1x27xi32>
    %ne3A_268 = arith.cmpi ne, %rem3A_265, %ne3A_267 : vector<1x27xi32>
    %lt3A = arith.constant 0 : i32
    %lt3A_269 = vector.broadcast %lt3A : i32 to vector<1x27xi32>
    %lt3A_270 = arith.cmpi slt, %rem3A_265, %lt3A_269 : vector<1x27xi32>
    %lt3A_271 = arith.constant 0 : i32
    %lt3A_272 = arith.cmpi slt, %select_n3A_263, %lt3A_271 : i32
    %ne3A_273 = vector.broadcast %lt3A_272 : i1 to vector<1x27xi1>
    %ne3A_274 = vector.broadcast %ne3A_273 : vector<1x27xi1> to vector<1x27xi1>
    %ne3A_275 = arith.xori %lt3A_270, %ne3A_274 : vector<1x27xi1>
    %and3A_276 = arith.andi %ne3A_275, %ne3A_268 : vector<1x27xi1>
    %add3A_277 = vector.broadcast %select_n3A_263 : i32 to vector<1x27xi32>
    %add3A_278 = arith.addi %rem3A_265, %add3A_277 : vector<1x27xi32>
    %select_n3A_279 = arith.select %and3A_276, %add3A_278, %rem3A_265 : vector<1x27xi1>, vector<1x27xi32>
    %eq3A_280 = arith.constant 0 : i32
    %eq3A_281 = vector.broadcast %eq3A_280 : i32 to vector<1x27xi32>
    %eq3A_282 = arith.cmpi eq, %select_n3A_279, %eq3A_281 : vector<1x27xi32>
    %convert_element_type3A_283 = arith.extui %eq3A_282 : vector<1x27xi1> to vector<1x27xi32>
    %convert_element_type3A_284 = arith.sitofp %convert_element_type3A_283 : vector<1x27xi32> to vector<1x27xf32>
    %mul3A_285 = vector.broadcast %mul3A_173 : vector<1000x1xf32> to vector<1000x27xf32>
    %mul3A_286 = vector.broadcast %convert_element_type3A_284 : vector<1x27xf32> to vector<1000x27xf32>
    %mul3A_287 = arith.mulf %mul3A_285, %mul3A_286 : vector<1000x27xf32>
    %eq3A_288 = arith.constant 1 : i32
    %eq3A_289 = vector.broadcast %eq3A_288 : i32 to vector<1x27xi32>
    %eq3A_290 = arith.cmpi eq, %select_n3A_279, %eq3A_289 : vector<1x27xi32>
    %convert_element_type3A_291 = arith.extui %eq3A_290 : vector<1x27xi1> to vector<1x27xi32>
    %convert_element_type3A_292 = arith.sitofp %convert_element_type3A_291 : vector<1x27xi32> to vector<1x27xf32>
    %mul3A_293 = vector.broadcast %mul3A_174 : vector<1000x1xf32> to vector<1000x27xf32>
    %mul3A_294 = vector.broadcast %convert_element_type3A_292 : vector<1x27xf32> to vector<1000x27xf32>
    %mul3A_295 = arith.mulf %mul3A_293, %mul3A_294 : vector<1000x27xf32>
    %add3A_296 = arith.addf %mul3A_287, %mul3A_295 : vector<1000x27xf32>
    %eq3A_297 = arith.constant 2 : i32
    %eq3A_298 = vector.broadcast %eq3A_297 : i32 to vector<1x27xi32>
    %eq3A_299 = arith.cmpi eq, %select_n3A_279, %eq3A_298 : vector<1x27xi32>
    %convert_element_type3A_300 = arith.extui %eq3A_299 : vector<1x27xi1> to vector<1x27xi32>
    %convert_element_type3A_301 = arith.sitofp %convert_element_type3A_300 : vector<1x27xi32> to vector<1x27xf32>
    %mul3A_302 = vector.broadcast %mul3A_175 : vector<1000x1xf32> to vector<1000x27xf32>
    %mul3A_303 = vector.broadcast %convert_element_type3A_301 : vector<1x27xf32> to vector<1000x27xf32>
    %mul3A_304 = arith.mulf %mul3A_302, %mul3A_303 : vector<1000x27xf32>
    %add3A_305 = arith.addf %add3A_296, %mul3A_304 : vector<1000x27xf32>
    %jit3A_306 = arith.constant 3 : i32
    %div3A_307 = vector.broadcast %jit3A_306 : i32 to vector<1x27xi32>
    %div3A_308 = arith.divsi %iota3A, %div3A_307 : vector<1x27xi32>
    %sign3A_309 = arith.constant 0 : i32
    %sign3A_310 = vector.broadcast %sign3A_309 : i32 to vector<1x27xi32>
    %sign3A_311 = arith.cmpi sgt, %iota3A, %sign3A_310 : vector<1x27xi32>
    %sign3A_312 = arith.extui %sign3A_311 : vector<1x27xi1> to vector<1x27xi32>
    %sign3A_313 = arith.constant 0 : i32
    %sign3A_314 = vector.broadcast %sign3A_313 : i32 to vector<1x27xi32>
    %sign3A_315 = arith.cmpi slt, %iota3A, %sign3A_314 : vector<1x27xi32>
    %sign3A_316 = arith.extui %sign3A_315 : vector<1x27xi1> to vector<1x27xi32>
    %sign3A_317 = arith.subi %sign3A_312, %sign3A_316 : vector<1x27xi32>
    %sign3A_318 = arith.constant 0 : i32
    %sign3A_319 = arith.cmpi sgt, %jit3A_306, %sign3A_318 : i32
    %sign3A_320 = arith.extui %sign3A_319 : i1 to i32
    %sign3A_321 = arith.constant 0 : i32
    %sign3A_322 = arith.cmpi slt, %jit3A_306, %sign3A_321 : i32
    %sign3A_323 = arith.extui %sign3A_322 : i1 to i32
    %sign3A_324 = arith.subi %sign3A_320, %sign3A_323 : i32
    %ne3A_325 = vector.broadcast %sign3A_324 : i32 to vector<1x27xi32>
    %ne3A_326 = arith.cmpi ne, %sign3A_317, %ne3A_325 : vector<1x27xi32>
    %rem3A_327 = vector.broadcast %jit3A_306 : i32 to vector<1x27xi32>
    %rem3A_328 = arith.remsi %iota3A, %rem3A_327 : vector<1x27xi32>
    %ne3A_329 = arith.constant 0 : i32
    %ne3A_330 = vector.broadcast %ne3A_329 : i32 to vector<1x27xi32>
    %ne3A_331 = arith.cmpi ne, %rem3A_328, %ne3A_330 : vector<1x27xi32>
    %and3A_332 = arith.andi %ne3A_326, %ne3A_331 : vector<1x27xi1>
    %sub3A_333 = arith.constant 1 : i32
    %sub3A_334 = vector.broadcast %sub3A_333 : i32 to vector<1x27xi32>
    %sub3A_335 = arith.subi %div3A_308, %sub3A_334 : vector<1x27xi32>
    %select_n3A_336 = arith.select %and3A_332, %sub3A_335, %div3A_308 : vector<1x27xi1>, vector<1x27xi32>
    %jit3A_337 = arith.constant 3 : i32
    %eq3A_338 = arith.constant 0 : i32
    %eq3A_339 = arith.cmpi eq, %jit3A_337, %eq3A_338 : i32
    %jit3A_340 = arith.constant 1 : i32
    %select_n3A_341 = arith.select %eq3A_339, %jit3A_340, %jit3A_337 : i32
    %rem3A_342 = vector.broadcast %select_n3A_341 : i32 to vector<1x27xi32>
    %rem3A_343 = arith.remsi %select_n3A_336, %rem3A_342 : vector<1x27xi32>
    %ne3A_344 = arith.constant 0 : i32
    %ne3A_345 = vector.broadcast %ne3A_344 : i32 to vector<1x27xi32>
    %ne3A_346 = arith.cmpi ne, %rem3A_343, %ne3A_345 : vector<1x27xi32>
    %lt3A_347 = arith.constant 0 : i32
    %lt3A_348 = vector.broadcast %lt3A_347 : i32 to vector<1x27xi32>
    %lt3A_349 = arith.cmpi slt, %rem3A_343, %lt3A_348 : vector<1x27xi32>
    %lt3A_350 = arith.constant 0 : i32
    %lt3A_351 = arith.cmpi slt, %select_n3A_341, %lt3A_350 : i32
    %ne3A_352 = vector.broadcast %lt3A_351 : i1 to vector<1x27xi1>
    %ne3A_353 = vector.broadcast %ne3A_352 : vector<1x27xi1> to vector<1x27xi1>
    %ne3A_354 = arith.xori %lt3A_349, %ne3A_353 : vector<1x27xi1>
    %and3A_355 = arith.andi %ne3A_354, %ne3A_346 : vector<1x27xi1>
    %add3A_356 = vector.broadcast %select_n3A_341 : i32 to vector<1x27xi32>
    %add3A_357 = arith.addi %rem3A_343, %add3A_356 : vector<1x27xi32>
    %select_n3A_358 = arith.select %and3A_355, %add3A_357, %rem3A_343 : vector<1x27xi1>, vector<1x27xi32>
    %eq3A_359 = arith.constant 0 : i32
    %eq3A_360 = vector.broadcast %eq3A_359 : i32 to vector<1x27xi32>
    %eq3A_361 = arith.cmpi eq, %select_n3A_358, %eq3A_360 : vector<1x27xi32>
    %convert_element_type3A_362 = arith.extui %eq3A_361 : vector<1x27xi1> to vector<1x27xi32>
    %convert_element_type3A_363 = arith.sitofp %convert_element_type3A_362 : vector<1x27xi32> to vector<1x27xf32>
    %mul3A_364 = vector.broadcast %slice3A_176 : vector<1000x1xf32> to vector<1000x27xf32>
    %mul3A_365 = vector.broadcast %convert_element_type3A_363 : vector<1x27xf32> to vector<1000x27xf32>
    %mul3A_366 = arith.mulf %mul3A_364, %mul3A_365 : vector<1000x27xf32>
    %eq3A_367 = arith.constant 1 : i32
    %eq3A_368 = vector.broadcast %eq3A_367 : i32 to vector<1x27xi32>
    %eq3A_369 = arith.cmpi eq, %select_n3A_358, %eq3A_368 : vector<1x27xi32>
    %convert_element_type3A_370 = arith.extui %eq3A_369 : vector<1x27xi1> to vector<1x27xi32>
    %convert_element_type3A_371 = arith.sitofp %convert_element_type3A_370 : vector<1x27xi32> to vector<1x27xf32>
    %mul3A_372 = vector.broadcast %slice3A_177 : vector<1000x1xf32> to vector<1000x27xf32>
    %mul3A_373 = vector.broadcast %convert_element_type3A_371 : vector<1x27xf32> to vector<1000x27xf32>
    %mul3A_374 = arith.mulf %mul3A_372, %mul3A_373 : vector<1000x27xf32>
    %add3A_375 = arith.addf %mul3A_366, %mul3A_374 : vector<1000x27xf32>
    %eq3A_376 = arith.constant 2 : i32
    %eq3A_377 = vector.broadcast %eq3A_376 : i32 to vector<1x27xi32>
    %eq3A_378 = arith.cmpi eq, %select_n3A_358, %eq3A_377 : vector<1x27xi32>
    %convert_element_type3A_379 = arith.extui %eq3A_378 : vector<1x27xi1> to vector<1x27xi32>
    %convert_element_type3A_380 = arith.sitofp %convert_element_type3A_379 : vector<1x27xi32> to vector<1x27xf32>
    %mul3A_381 = vector.broadcast %slice3A_178 : vector<1000x1xf32> to vector<1000x27xf32>
    %mul3A_382 = vector.broadcast %convert_element_type3A_380 : vector<1x27xf32> to vector<1000x27xf32>
    %mul3A_383 = arith.mulf %mul3A_381, %mul3A_382 : vector<1000x27xf32>
    %add3A_384 = arith.addf %add3A_375, %mul3A_383 : vector<1000x27xf32>
    %jit3A_385 = arith.constant 3 : i32
    %eq3A_386 = arith.constant 0 : i32
    %eq3A_387 = arith.cmpi eq, %jit3A_385, %eq3A_386 : i32
    %jit3A_388 = arith.constant 1 : i32
    %select_n3A_389 = arith.select %eq3A_387, %jit3A_388, %jit3A_385 : i32
    %rem3A_390 = vector.broadcast %select_n3A_389 : i32 to vector<1x27xi32>
    %rem3A_391 = arith.remsi %iota3A, %rem3A_390 : vector<1x27xi32>
    %ne3A_392 = arith.constant 0 : i32
    %ne3A_393 = vector.broadcast %ne3A_392 : i32 to vector<1x27xi32>
    %ne3A_394 = arith.cmpi ne, %rem3A_391, %ne3A_393 : vector<1x27xi32>
    %lt3A_395 = arith.constant 0 : i32
    %lt3A_396 = vector.broadcast %lt3A_395 : i32 to vector<1x27xi32>
    %lt3A_397 = arith.cmpi slt, %rem3A_391, %lt3A_396 : vector<1x27xi32>
    %lt3A_398 = arith.constant 0 : i32
    %lt3A_399 = arith.cmpi slt, %select_n3A_389, %lt3A_398 : i32
    %ne3A_400 = vector.broadcast %lt3A_399 : i1 to vector<1x27xi1>
    %ne3A_401 = vector.broadcast %ne3A_400 : vector<1x27xi1> to vector<1x27xi1>
    %ne3A_402 = arith.xori %lt3A_397, %ne3A_401 : vector<1x27xi1>
    %and3A_403 = arith.andi %ne3A_402, %ne3A_394 : vector<1x27xi1>
    %add3A_404 = vector.broadcast %select_n3A_389 : i32 to vector<1x27xi32>
    %add3A_405 = arith.addi %rem3A_391, %add3A_404 : vector<1x27xi32>
    %select_n3A_406 = arith.select %and3A_403, %add3A_405, %rem3A_391 : vector<1x27xi1>, vector<1x27xi32>
    %eq3A_407 = arith.constant 0 : i32
    %eq3A_408 = vector.broadcast %eq3A_407 : i32 to vector<1x27xi32>
    %eq3A_409 = arith.cmpi eq, %select_n3A_406, %eq3A_408 : vector<1x27xi32>
    %convert_element_type3A_410 = arith.extui %eq3A_409 : vector<1x27xi1> to vector<1x27xi32>
    %convert_element_type3A_411 = arith.sitofp %convert_element_type3A_410 : vector<1x27xi32> to vector<1x27xf32>
    %mul3A_412 = vector.broadcast %slice3A_176 : vector<1000x1xf32> to vector<1000x27xf32>
    %mul3A_413 = vector.broadcast %convert_element_type3A_411 : vector<1x27xf32> to vector<1000x27xf32>
    %mul3A_414 = arith.mulf %mul3A_412, %mul3A_413 : vector<1000x27xf32>
    %eq3A_415 = arith.constant 1 : i32
    %eq3A_416 = vector.broadcast %eq3A_415 : i32 to vector<1x27xi32>
    %eq3A_417 = arith.cmpi eq, %select_n3A_406, %eq3A_416 : vector<1x27xi32>
    %convert_element_type3A_418 = arith.extui %eq3A_417 : vector<1x27xi1> to vector<1x27xi32>
    %convert_element_type3A_419 = arith.sitofp %convert_element_type3A_418 : vector<1x27xi32> to vector<1x27xf32>
    %mul3A_420 = vector.broadcast %slice3A_177 : vector<1000x1xf32> to vector<1000x27xf32>
    %mul3A_421 = vector.broadcast %convert_element_type3A_419 : vector<1x27xf32> to vector<1000x27xf32>
    %mul3A_422 = arith.mulf %mul3A_420, %mul3A_421 : vector<1000x27xf32>
    %add3A_423 = arith.addf %mul3A_414, %mul3A_422 : vector<1000x27xf32>
    %eq3A_424 = arith.constant 2 : i32
    %eq3A_425 = vector.broadcast %eq3A_424 : i32 to vector<1x27xi32>
    %eq3A_426 = arith.cmpi eq, %select_n3A_406, %eq3A_425 : vector<1x27xi32>
    %convert_element_type3A_427 = arith.extui %eq3A_426 : vector<1x27xi1> to vector<1x27xi32>
    %convert_element_type3A_428 = arith.sitofp %convert_element_type3A_427 : vector<1x27xi32> to vector<1x27xf32>
    %mul3A_429 = vector.broadcast %slice3A_178 : vector<1000x1xf32> to vector<1000x27xf32>
    %mul3A_430 = vector.broadcast %convert_element_type3A_428 : vector<1x27xf32> to vector<1000x27xf32>
    %mul3A_431 = arith.mulf %mul3A_429, %mul3A_430 : vector<1000x27xf32>
    %add3A_432 = arith.addf %add3A_423, %mul3A_431 : vector<1000x27xf32>
    %mul3A_433 = arith.mulf %add3A_227, %add3A_305 : vector<1000x27xf32>
    %mul3A_434 = arith.mulf %mul3A_433, %add3A_432 : vector<1000x27xf32>
    %mul3A_435 = arith.mulf %add3A_227, %add3A_384 : vector<1000x27xf32>
    %mul3A_436 = arith.mulf %mul3A_435, %add3A_432 : vector<1000x27xf32>
    %iota3A_437 = tpu.iota {dimensions = array<i32: 0>} : vector<27x768xi32>
    %iota3A_438 = tpu.iota {dimensions = array<i32: 1>} : vector<27x768xi32>
    %lt3A_439 = arith.constant 729 : i32
    %lt3A_440 = vector.broadcast %lt3A_439 : i32 to vector<27x768xi32>
    %lt3A_441 = arith.cmpi slt, %iota3A_438, %lt3A_440 : vector<27x768xi32>
    %jit3A_442 = arith.constant 27 : i32
    %div3A_443 = vector.broadcast %jit3A_442 : i32 to vector<27x768xi32>
    %div3A_444 = arith.divsi %iota3A_438, %div3A_443 : vector<27x768xi32>
    %sign3A_445 = arith.constant 0 : i32
    %sign3A_446 = vector.broadcast %sign3A_445 : i32 to vector<27x768xi32>
    %sign3A_447 = arith.cmpi sgt, %iota3A_438, %sign3A_446 : vector<27x768xi32>
    %sign3A_448 = arith.extui %sign3A_447 : vector<27x768xi1> to vector<27x768xi32>
    %sign3A_449 = arith.constant 0 : i32
    %sign3A_450 = vector.broadcast %sign3A_449 : i32 to vector<27x768xi32>
    %sign3A_451 = arith.cmpi slt, %iota3A_438, %sign3A_450 : vector<27x768xi32>
    %sign3A_452 = arith.extui %sign3A_451 : vector<27x768xi1> to vector<27x768xi32>
    %sign3A_453 = arith.subi %sign3A_448, %sign3A_452 : vector<27x768xi32>
    %sign3A_454 = arith.constant 0 : i32
    %sign3A_455 = arith.cmpi sgt, %jit3A_442, %sign3A_454 : i32
    %sign3A_456 = arith.extui %sign3A_455 : i1 to i32
    %sign3A_457 = arith.constant 0 : i32
    %sign3A_458 = arith.cmpi slt, %jit3A_442, %sign3A_457 : i32
    %sign3A_459 = arith.extui %sign3A_458 : i1 to i32
    %sign3A_460 = arith.subi %sign3A_456, %sign3A_459 : i32
    %ne3A_461 = vector.broadcast %sign3A_460 : i32 to vector<27x768xi32>
    %ne3A_462 = arith.cmpi ne, %sign3A_453, %ne3A_461 : vector<27x768xi32>
    %rem3A_463 = vector.broadcast %jit3A_442 : i32 to vector<27x768xi32>
    %rem3A_464 = arith.remsi %iota3A_438, %rem3A_463 : vector<27x768xi32>
    %ne3A_465 = arith.constant 0 : i32
    %ne3A_466 = vector.broadcast %ne3A_465 : i32 to vector<27x768xi32>
    %ne3A_467 = arith.cmpi ne, %rem3A_464, %ne3A_466 : vector<27x768xi32>
    %and3A_468 = arith.andi %ne3A_462, %ne3A_467 : vector<27x768xi1>
    %sub3A_469 = arith.constant 1 : i32
    %sub3A_470 = vector.broadcast %sub3A_469 : i32 to vector<27x768xi32>
    %sub3A_471 = arith.subi %div3A_444, %sub3A_470 : vector<27x768xi32>
    %select_n3A_472 = arith.select %and3A_468, %sub3A_471, %div3A_444 : vector<27x768xi1>, vector<27x768xi32>
    %eq3A_473 = arith.cmpi eq, %select_n3A_472, %iota3A_437 : vector<27x768xi32>
    %and3A_474 = arith.andi %lt3A_441, %eq3A_473 : vector<27x768xi1>
    %convert_element_type3A_475 = arith.extui %and3A_474 : vector<27x768xi1> to vector<27x768xi32>
    %convert_element_type3A_476 = arith.sitofp %convert_element_type3A_475 : vector<27x768xi32> to vector<27x768xf32>
    %jit3A_477 = arith.constant 27 : i32
    %eq3A_478 = arith.constant 0 : i32
    %eq3A_479 = arith.cmpi eq, %jit3A_477, %eq3A_478 : i32
    %jit3A_480 = arith.constant 1 : i32
    %select_n3A_481 = arith.select %eq3A_479, %jit3A_480, %jit3A_477 : i32
    %rem3A_482 = vector.broadcast %select_n3A_481 : i32 to vector<27x768xi32>
    %rem3A_483 = arith.remsi %iota3A_438, %rem3A_482 : vector<27x768xi32>
    %ne3A_484 = arith.constant 0 : i32
    %ne3A_485 = vector.broadcast %ne3A_484 : i32 to vector<27x768xi32>
    %ne3A_486 = arith.cmpi ne, %rem3A_483, %ne3A_485 : vector<27x768xi32>
    %lt3A_487 = arith.constant 0 : i32
    %lt3A_488 = vector.broadcast %lt3A_487 : i32 to vector<27x768xi32>
    %lt3A_489 = arith.cmpi slt, %rem3A_483, %lt3A_488 : vector<27x768xi32>
    %lt3A_490 = arith.constant 0 : i32
    %lt3A_491 = arith.cmpi slt, %select_n3A_481, %lt3A_490 : i32
    %ne3A_492 = vector.broadcast %lt3A_491 : i1 to vector<27x768xi1>
    %ne3A_493 = vector.broadcast %ne3A_492 : vector<27x768xi1> to vector<27x768xi1>
    %ne3A_494 = arith.xori %lt3A_489, %ne3A_493 : vector<27x768xi1>
    %and3A_495 = arith.andi %ne3A_494, %ne3A_486 : vector<27x768xi1>
    %add3A_496 = vector.broadcast %select_n3A_481 : i32 to vector<27x768xi32>
    %add3A_497 = arith.addi %rem3A_483, %add3A_496 : vector<27x768xi32>
    %select_n3A_498 = arith.select %and3A_495, %add3A_497, %rem3A_483 : vector<27x768xi1>, vector<27x768xi32>
    %eq3A_499 = arith.cmpi eq, %select_n3A_498, %iota3A_437 : vector<27x768xi32>
    %and3A_500 = arith.andi %lt3A_441, %eq3A_499 : vector<27x768xi1>
    %convert_element_type3A_501 = arith.extui %and3A_500 : vector<27x768xi1> to vector<27x768xi32>
    %convert_element_type3A_502 = arith.sitofp %convert_element_type3A_501 : vector<27x768xi32> to vector<27x768xf32>
    %iota3A_503 = tpu.iota {dimensions = array<i32: 1>} : vector<1x768xi32>
    %jit3A_504 = arith.constant 28 : i32
    %eq3A_505 = arith.constant 0 : i32
    %eq3A_506 = arith.cmpi eq, %jit3A_504, %eq3A_505 : i32
    %jit3A_507 = arith.constant 1 : i32
    %select_n3A_508 = arith.select %eq3A_506, %jit3A_507, %jit3A_504 : i32
    %rem3A_509 = vector.broadcast %select_n3A_508 : i32 to vector<1x768xi32>
    %rem3A_510 = arith.remsi %iota3A_503, %rem3A_509 : vector<1x768xi32>
    %ne3A_511 = arith.constant 0 : i32
    %ne3A_512 = vector.broadcast %ne3A_511 : i32 to vector<1x768xi32>
    %ne3A_513 = arith.cmpi ne, %rem3A_510, %ne3A_512 : vector<1x768xi32>
    %lt3A_514 = arith.constant 0 : i32
    %lt3A_515 = vector.broadcast %lt3A_514 : i32 to vector<1x768xi32>
    %lt3A_516 = arith.cmpi slt, %rem3A_510, %lt3A_515 : vector<1x768xi32>
    %lt3A_517 = arith.constant 0 : i32
    %lt3A_518 = arith.cmpi slt, %select_n3A_508, %lt3A_517 : i32
    %ne3A_519 = vector.broadcast %lt3A_518 : i1 to vector<1x768xi1>
    %ne3A_520 = vector.broadcast %ne3A_519 : vector<1x768xi1> to vector<1x768xi1>
    %ne3A_521 = arith.xori %lt3A_516, %ne3A_520 : vector<1x768xi1>
    %and3A_522 = arith.andi %ne3A_521, %ne3A_513 : vector<1x768xi1>
    %add3A_523 = vector.broadcast %select_n3A_508 : i32 to vector<1x768xi32>
    %add3A_524 = arith.addi %rem3A_510, %add3A_523 : vector<1x768xi32>
    %select_n3A_525 = arith.select %and3A_522, %add3A_524, %rem3A_510 : vector<1x768xi1>, vector<1x768xi32>
    %eq3A_526 = arith.constant 0 : i32
    %eq3A_527 = vector.broadcast %eq3A_526 : i32 to vector<1x768xi32>
    %eq3A_528 = arith.cmpi eq, %select_n3A_525, %eq3A_527 : vector<1x768xi32>
    %lt3A_529 = arith.constant 729 : i32
    %lt3A_530 = vector.broadcast %lt3A_529 : i32 to vector<1x768xi32>
    %lt3A_531 = arith.cmpi slt, %iota3A_503, %lt3A_530 : vector<1x768xi32>
    %and3A_532 = arith.andi %eq3A_528, %lt3A_531 : vector<1x768xi1>
    %convert_element_type3A_533 = arith.extui %and3A_532 : vector<1x768xi1> to vector<1x768xi32>
    %convert_element_type3A_534 = arith.sitofp %convert_element_type3A_533 : vector<1x768xi32> to vector<1x768xf32>
    %dot_general3A_535 = arith.constant dense<0.000000e+00> : vector<1000x768xf32>
    %dot_general3A_536 = tpu.matmul %mul3A_434, %convert_element_type3A_476, %dot_general3A_535 {dimension_numbers = #tpu.dot_dimension_numbers<[1], [0], [0], [1], [0, 0, 1, 1], [], []>, transpose_lhs_hint = false} : vector<1000x27xf32>, vector<27x768xf32>, vector<1000x768xf32> -> vector<1000x768xf32>
    %dot_general3A_537 = arith.constant dense<0.000000e+00> : vector<1000x768xf32>
    %dot_general3A_538 = tpu.matmul %mul3A_436, %convert_element_type3A_502, %dot_general3A_537 {dimension_numbers = #tpu.dot_dimension_numbers<[1], [0], [0], [1], [0, 0, 1, 1], [], []>, transpose_lhs_hint = false} : vector<1000x27xf32>, vector<27x768xf32>, vector<1000x768xf32> -> vector<1000x768xf32>
    %mul3A_539 = arith.mulf %dot_general3A_536, %dot_general3A_538 : vector<1000x768xf32>
    %mul3A_540 = vector.broadcast %add3A_159 : vector<1000x1xf32> to vector<1000x768xf32>
    %mul3A_541 = vector.broadcast %convert_element_type3A_534 : vector<1x768xf32> to vector<1000x768xf32>
    %mul3A_542 = arith.mulf %mul3A_540, %mul3A_541 : vector<1000x768xf32>
    %add3A_543 = arith.addf %mul3A_539, %mul3A_542 : vector<1000x768xf32>
    %iota3A_544 = tpu.iota {dimensions = array<i32: 0>} : vector<1000x1xi32>
    %mul3A_545 = arith.constant 1000 : i32
    %mul3A_546 = arith.muli %arg0, %mul3A_545 : i32
    %add3A_547 = vector.broadcast %mul3A_546 : i32 to vector<1000x1xi32>
    %add3A_548 = arith.addi %iota3A_544, %add3A_547 : vector<1000x1xi32>
    %lt3A_549 = arith.constant 50000 : i32
    %lt3A_550 = vector.broadcast %lt3A_549 : i32 to vector<1000x1xi32>
    %lt3A_551 = arith.cmpi slt, %add3A_548, %lt3A_550 : vector<1000x1xi32>
    %convert_element_type3A_552 = arith.extui %lt3A_551 : vector<1000x1xi1> to vector<1000x1xi32>
    %convert_element_type3A_553 = arith.sitofp %convert_element_type3A_552 : vector<1000x1xi32> to vector<1000x1xf32>
    %mul3A_554 = vector.broadcast %convert_element_type3A_553 : vector<1000x1xf32> to vector<1000x768xf32>
    %mul3A_555 = arith.mulf %add3A_543, %mul3A_554 : vector<1000x768xf32>
    %get3A_556 = arith.constant 0 : index
    %get3A_557 = arith.constant 0 : index
    %get3A_558 = arith.constant 0 : index
    %get3A_559 = vector.load %arg4[%get3A_556, %get3A_557, %get3A_558] : memref<1x1x1000xi32, #tpu.memory_space<vmem>>, vector<1x1x1000xi32>
    %get3A_560 = vector.shape_cast %get3A_559 : vector<1x1x1000xi32> to vector<1x1000xi32>
    %reduce_min3A = vector.shape_cast %get3A_560 : vector<1x1000xi32> to vector<1x1x1000xi32>
    %reduce_min3A_561 = arith.constant dense<2147483647> : vector<1xi32>
    %reduce_min3A_562 = vector.multi_reduction <minsi>, %reduce_min3A, %reduce_min3A_561 [1, 2] : vector<1x1x1000xi32> to vector<1xi32>
    %reduce_min3A_563 = vector.shape_cast %reduce_min3A_562 : vector<1xi32> to vector<1x1x1xi32>
    %reduce_min3A_564 = vector.extract %reduce_min3A_563[0, 0, 0] : i32 from vector<1x1x1xi32>
    %reduce_max3A = vector.shape_cast %get3A_560 : vector<1x1000xi32> to vector<1x1x1000xi32>
    %reduce_max3A_565 = arith.constant dense<-2147483648> : vector<1xi32>
    %reduce_max3A_566 = vector.multi_reduction <maxsi>, %reduce_max3A, %reduce_max3A_565 [1, 2] : vector<1x1x1000xi32> to vector<1xi32>
    %reduce_max3A_567 = vector.shape_cast %reduce_max3A_566 : vector<1xi32> to vector<1x1x1xi32>
    %reduce_max3A_568 = vector.extract %reduce_max3A_567[0, 0, 0] : i32 from vector<1x1x1xi32>
    %jit3A_569 = arith.constant 8 : i32
    %div3A_570 = arith.divsi %reduce_min3A_564, %jit3A_569 : i32
    %sign3A_571 = arith.constant 0 : i32
    %sign3A_572 = arith.cmpi sgt, %reduce_min3A_564, %sign3A_571 : i32
    %sign3A_573 = arith.extui %sign3A_572 : i1 to i32
    %sign3A_574 = arith.constant 0 : i32
    %sign3A_575 = arith.cmpi slt, %reduce_min3A_564, %sign3A_574 : i32
    %sign3A_576 = arith.extui %sign3A_575 : i1 to i32
    %sign3A_577 = arith.subi %sign3A_573, %sign3A_576 : i32
    %sign3A_578 = arith.constant 0 : i32
    %sign3A_579 = arith.cmpi sgt, %jit3A_569, %sign3A_578 : i32
    %sign3A_580 = arith.extui %sign3A_579 : i1 to i32
    %sign3A_581 = arith.constant 0 : i32
    %sign3A_582 = arith.cmpi slt, %jit3A_569, %sign3A_581 : i32
    %sign3A_583 = arith.extui %sign3A_582 : i1 to i32
    %sign3A_584 = arith.subi %sign3A_580, %sign3A_583 : i32
    %ne3A_585 = arith.cmpi ne, %sign3A_577, %sign3A_584 : i32
    %rem3A_586 = arith.remsi %reduce_min3A_564, %jit3A_569 : i32
    %ne3A_587 = arith.constant 0 : i32
    %ne3A_588 = arith.cmpi ne, %rem3A_586, %ne3A_587 : i32
    %and3A_589 = arith.andi %ne3A_585, %ne3A_588 : i1
    %sub3A_590 = arith.constant 1 : i32
    %sub3A_591 = arith.subi %div3A_570, %sub3A_590 : i32
    %select_n3A_592 = arith.select %and3A_589, %sub3A_591, %div3A_570 : i32
    %mul3A_593 = arith.constant 8 : i32
    %mul3A_594 = arith.muli %select_n3A_592, %mul3A_593 : i32
    %sub3A_595 = arith.subi %reduce_max3A_568, %mul3A_594 : i32
    %jit3A_596 = arith.constant 64 : i32
    %div3A_597 = arith.divsi %sub3A_595, %jit3A_596 : i32
    %sign3A_598 = arith.constant 0 : i32
    %sign3A_599 = arith.cmpi sgt, %sub3A_595, %sign3A_598 : i32
    %sign3A_600 = arith.extui %sign3A_599 : i1 to i32
    %sign3A_601 = arith.constant 0 : i32
    %sign3A_602 = arith.cmpi slt, %sub3A_595, %sign3A_601 : i32
    %sign3A_603 = arith.extui %sign3A_602 : i1 to i32
    %sign3A_604 = arith.subi %sign3A_600, %sign3A_603 : i32
    %sign3A_605 = arith.constant 0 : i32
    %sign3A_606 = arith.cmpi sgt, %jit3A_596, %sign3A_605 : i32
    %sign3A_607 = arith.extui %sign3A_606 : i1 to i32
    %sign3A_608 = arith.constant 0 : i32
    %sign3A_609 = arith.cmpi slt, %jit3A_596, %sign3A_608 : i32
    %sign3A_610 = arith.extui %sign3A_609 : i1 to i32
    %sign3A_611 = arith.subi %sign3A_607, %sign3A_610 : i32
    %ne3A_612 = arith.cmpi ne, %sign3A_604, %sign3A_611 : i32
    %rem3A_613 = arith.remsi %sub3A_595, %jit3A_596 : i32
    %ne3A_614 = arith.constant 0 : i32
    %ne3A_615 = arith.cmpi ne, %rem3A_613, %ne3A_614 : i32
    %and3A_616 = arith.andi %ne3A_612, %ne3A_615 : i1
    %sub3A_617 = arith.constant 1 : i32
    %sub3A_618 = arith.subi %div3A_597, %sub3A_617 : i32
    %select_n3A_619 = arith.select %and3A_616, %sub3A_618, %div3A_597 : i32
    %add3A_620 = arith.constant 1 : i32
    %add3A_621 = arith.addi %select_n3A_619, %add3A_620 : i32
    %iota3A_622 = tpu.iota {dimensions = array<i32: 0>} : vector<64x1000xi32>
    %while3A = arith.constant 0 : i32
    %while3A_623 = arith.constant 0 : i32
    %while3A_624 = arith.subi %add3A_621, %while3A_623 : i32
    %while3A_625 = arith.addi %while3A_623, %while3A_624 : i32
    %while3A_626 = arith.constant 1 : i32
    %while3A_627 = arith.divsi %while3A_624, %while3A_626 : i32
    %while3A_628 = arith.muli %while3A_627, %while3A_626 : i32
    %while3A_629 = arith.addi %while3A_623, %while3A_628 : i32
    %while3A_630 = arith.constant 1 : i32
    scf.for %while3A_632 = %while3A_623 to %while3A_629 step %while3A_630  : i32 {
      %mul3A_633 = arith.constant 64 : i32
      %mul3A_634 = arith.muli %while3A_632, %mul3A_633 : i32
      %add3A_635 = arith.addi %mul3A_594, %mul3A_634 : i32
      %sub3A_636 = vector.broadcast %add3A_635 : i32 to vector<1x1000xi32>
      %sub3A_637 = arith.subi %get3A_560, %sub3A_636 : vector<1x1000xi32>
      %eq3A_638 = vector.broadcast %sub3A_637 : vector<1x1000xi32> to vector<64x1000xi32>
      %eq3A_639 = arith.cmpi eq, %iota3A_622, %eq3A_638 : vector<64x1000xi32>
      %convert_element_type3A_640 = arith.extui %eq3A_639 : vector<64x1000xi1> to vector<64x1000xi32>
      %convert_element_type3A_641 = arith.sitofp %convert_element_type3A_640 : vector<64x1000xi32> to vector<64x1000xf32>
      %dot_general3A_642 = arith.constant dense<0.000000e+00> : vector<64x768xf32>
      %dot_general3A_643 = tpu.matmul %convert_element_type3A_641, %mul3A_555, %dot_general3A_642 {dimension_numbers = #tpu.dot_dimension_numbers<[1], [0], [0], [1], [0, 0, 1, 1], [], []>, transpose_lhs_hint = false} : vector<64x1000xf32>, vector<1000x768xf32>, vector<64x768xf32> -> vector<64x768xf32>
      %multiple_of3A = tpu.assume_multiple %add3A_635, 8 : i32
      %get3A_644 = arith.index_cast %multiple_of3A : i32 to index
      %get3A_645 = arith.constant 0 : index
      %get3A_646 = vector.load %arg17[%get3A_644, %get3A_645] : memref<1064x768xf32, #tpu.memory_space<vmem>>, vector<64x768xf32>
      %add3A_647 = arith.addf %get3A_646, %dot_general3A_643 : vector<64x768xf32>
      %swap3A = arith.index_cast %multiple_of3A : i32 to index
      %swap3A_648 = arith.constant 0 : index
      %swap3A_649 = vector.load %arg17[%swap3A, %swap3A_648] : memref<1064x768xf32, #tpu.memory_space<vmem>>, vector<64x768xf32>
      tpu.vector_store %arg17[%swap3A, %swap3A_648], %add3A_647 {strides = array<i32>} : memref<1064x768xf32, #tpu.memory_space<vmem>>, vector<64x768xf32>,
    }
    %while3A_631 = arith.constant 1 : i32
    scf.for %while3A_632 = %while3A_629 to %while3A_625 step %while3A_631  : i32 {
      %mul3A_633 = arith.constant 64 : i32
      %mul3A_634 = arith.muli %while3A_632, %mul3A_633 : i32
      %add3A_635 = arith.addi %mul3A_594, %mul3A_634 : i32
      %sub3A_636 = vector.broadcast %add3A_635 : i32 to vector<1x1000xi32>
      %sub3A_637 = arith.subi %get3A_560, %sub3A_636 : vector<1x1000xi32>
      %eq3A_638 = vector.broadcast %sub3A_637 : vector<1x1000xi32> to vector<64x1000xi32>
      %eq3A_639 = arith.cmpi eq, %iota3A_622, %eq3A_638 : vector<64x1000xi32>
      %convert_element_type3A_640 = arith.extui %eq3A_639 : vector<64x1000xi1> to vector<64x1000xi32>
      %convert_element_type3A_641 = arith.sitofp %convert_element_type3A_640 : vector<64x1000xi32> to vector<64x1000xf32>
      %dot_general3A_642 = arith.constant dense<0.000000e+00> : vector<64x768xf32>
      %dot_general3A_643 = tpu.matmul %convert_element_type3A_641, %mul3A_555, %dot_general3A_642 {dimension_numbers = #tpu.dot_dimension_numbers<[1], [0], [0], [1], [0, 0, 1, 1], [], []>, transpose_lhs_hint = false} : vector<64x1000xf32>, vector<1000x768xf32>, vector<64x768xf32> -> vector<64x768xf32>
      %multiple_of3A = tpu.assume_multiple %add3A_635, 8 : i32
      %get3A_644 = arith.index_cast %multiple_of3A : i32 to index
      %get3A_645 = arith.constant 0 : index
      %get3A_646 = vector.load %arg17[%get3A_644, %get3A_645] : memref<1064x768xf32, #tpu.memory_space<vmem>>, vector<64x768xf32>
      %add3A_647 = arith.addf %get3A_646, %dot_general3A_643 : vector<64x768xf32>
      %swap3A = arith.index_cast %multiple_of3A : i32 to index
      %swap3A_648 = arith.constant 0 : index
      %swap3A_649 = vector.load %arg17[%swap3A, %swap3A_648] : memref<1064x768xf32, #tpu.memory_space<vmem>>, vector<64x768xf32>
      tpu.vector_store %arg17[%swap3A, %swap3A_648], %add3A_647 {strides = array<i32>} : memref<1064x768xf32, #tpu.memory_space<vmem>>, vector<64x768xf32>,
    }
    return
  }
  func.func @transform_0(%arg0: i32) -> (i32, i32, i32) {
    %c0_i32 = arith.constant 0 : i32
    %c0_i32_0 = arith.constant 0 : i32
    %c0_i32_1 = arith.constant 0 : i32
    return %arg0, %c0_i32, %c0_i32_0 : i32, i32, i32
  }
  func.func @transform_1(%arg0: i32) -> (i32, i32) {
    %c0_i32 = arith.constant 0 : i32
    %c0_i32_0 = arith.constant 0 : i32
    return %arg0, %c0_i32 : i32, i32
  }
  func.func @transform_2(%arg0: i32) -> (i32, i32, i32) {
    %c0_i32 = arith.constant 0 : i32
    %c0_i32_0 = arith.constant 0 : i32
    %c0_i32_1 = arith.constant 0 : i32
    return %arg0, %c0_i32, %c0_i32_0 : i32, i32, i32
  }
  func.func @transform_3(%arg0: i32) -> (i32, i32, i32) {
    %c0_i32 = arith.constant 0 : i32
    %c0_i32_0 = arith.constant 0 : i32
    %c0_i32_1 = arith.constant 0 : i32
    return %arg0, %c0_i32, %c0_i32_0 : i32, i32, i32
  }
  func.func @transform_4(%arg0: i32) -> (i32, i32) {
    %c0_i32 = arith.constant 0 : i32
    %c0_i32_0 = arith.constant 0 : i32
    %c0_i32_1 = arith.constant 0 : i32
    return %c0_i32, %c0_i32_0 : i32, i32
  }
  func.func @transform_5(%arg0: i32) -> (i32, i32) {
    %c0_i32 = arith.constant 0 : i32
    %c0_i32_0 = arith.constant 0 : i32
    %c0_i32_1 = arith.constant 0 : i32
    return %c0_i32, %c0_i32_0 : i32, i32
  }
  func.func @transform_6(%arg0: i32) -> (i32, i32) {
    %c0_i32 = arith.constant 0 : i32
    %c0_i32_0 = arith.constant 0 : i32
    %c0_i32_1 = arith.constant 0 : i32
    return %c0_i32, %c0_i32_0 : i32, i32
  }
  func.func @transform_7(%arg0: i32) -> (i32, i32) {
    %c0_i32 = arith.constant 0 : i32
    %c0_i32_0 = arith.constant 0 : i32
    %c0_i32_1 = arith.constant 0 : i32
    return %c0_i32, %c0_i32_0 : i32, i32
  }
  func.func @transform_8(%arg0: i32) -> (i32, i32) {
    %c0_i32 = arith.constant 0 : i32
    %c0_i32_0 = arith.constant 0 : i32
    %c0_i32_1 = arith.constant 0 : i32
    return %c0_i32, %c0_i32_0 : i32, i32
  }
  func.func @transform_9(%arg0: i32) -> (i32, i32) {
    %c0_i32 = arith.constant 0 : i32
    %c0_i32_0 = arith.constant 0 : i32
    %c0_i32_1 = arith.constant 0 : i32
    return %c0_i32, %c0_i32_0 : i32, i32
  }
  func.func @transform_10(%arg0: i32) -> (i32, i32) {
    %c0_i32 = arith.constant 0 : i32
    %c0_i32_0 = arith.constant 0 : i32
    %c0_i32_1 = arith.constant 0 : i32
    return %c0_i32, %c0_i32_0 : i32, i32
  }
  func.func @transform_11(%arg0: i32) -> (i32, i32) {
    %c0_i32 = arith.constant 0 : i32
    %c0_i32_0 = arith.constant 0 : i32
    %c0_i32_1 = arith.constant 0 : i32
    return %c0_i32, %c0_i32_0 : i32, i32
  }
  func.func @transform_12(%arg0: i32) -> (i32, i32) {
    %c0_i32 = arith.constant 0 : i32
    %c0_i32_0 = arith.constant 0 : i32
    %c0_i32_1 = arith.constant 0 : i32
    return %c0_i32, %c0_i32_0 : i32, i32
  }
  func.func @transform_13(%arg0: i32) -> (i32, i32) {
    %c0_i32 = arith.constant 0 : i32
    %c0_i32_0 = arith.constant 0 : i32
    %c0_i32_1 = arith.constant 0 : i32
    return %c0_i32, %c0_i32_0 : i32, i32
  }
  func.func @transform_14(%arg0: i32) -> (i32, i32) {
    %c0_i32 = arith.constant 0 : i32
    %c0_i32_0 = arith.constant 0 : i32
    %c0_i32_1 = arith.constant 0 : i32
    return %c0_i32, %c0_i32_0 : i32, i32
  }
  func.func @transform_15(%arg0: i32) -> (i32, i32) {
    %c0_i32 = arith.constant 0 : i32
    %c0_i32_0 = arith.constant 0 : i32
    %c0_i32_1 = arith.constant 0 : i32
    return %c0_i32, %c0_i32_0 : i32, i32
  }
  func.func @transform_16(%arg0: i32) -> (i32, i32) {
    %c0_i32 = arith.constant 0 : i32
    %c0_i32_0 = arith.constant 0 : i32
    %c0_i32_1 = arith.constant 0 : i32
    return %c0_i32, %c0_i32_0 : i32, i32
  }
}

</mosaic_0001>

<sc_bundles>
// kernel: sparse-core-data-format-call.cloned.1.call-start
scs
called_computation_lowered:
.L_overlay_start_0:
0x0: {  	s2 =	sld [smem:$0x3FD9]  }
0x1: {  	s3 =	sld [smem:$0x3FFE];
	_ =	sdelay $0x1  }
0x2: {  	s1 =	srdreg.scid  }
0x3: {  	s0 =	sand.u32 $0x1, s1  }
0x4: {  	s18 =	sshll.u32 s0, $0xA;
	s2 =	sadd.s32 s3, s2  }
0x5: {  	s2 =	sadd.s32 s2, s18  }
0x6: {  	[smem:$0x3FBA] =	sst s2  }
0x7: {  	_ = 	snop  }
0x8: {  	s2 =	sld [smem:$0x3FC7];
	(tm) =	ssettm $0x1  }
0x9: {  	s19 =	sld [smem:$0x3FFB];
	_ =	sdelay $0x3  }
0xa: {  	_ =	strace s19  }
0xb: {  	s3 =	sld [smem:$0x3FFC];
	_ =	sdelay $0x3  }
0xc: {  	_ =	strace s3  }
0xd: {  	s3 =	sld [smem:$0x3FFD];
	_ =	sdelay $0x3  }
0xe: {  	_ =	strace s3  }
0xf: {  	_ =	strace $0x8FFFFFFF  }
0x10: {  	s20 =	sld [smem:$0x3FDB];
	_ =	sdelay $0x1  }
0x11: {  	s4 =	simm.s32 $_scs_section_size  }
0x12: {  	s5 =	simm.s32 $_size__tile_overlayer_lowered;
	s6 =	simm.s32 $_tile_overlayer_lowered  }
0x13: {  	s23 =	simm.s32 $0x1BFF;
	s22 =	sshll.u32 s6, $0x1;
	s3 =	sadd.s32 s4, s20  }
0x14: {  	s7 =	simm.s32 $0x0;
	s21 =	sshll.u32 s5, $0x1;
	s5 =	sadd.s32 s22, s3  }
0x15: {  	[timem:s7], [sflag:s23] =	dma.local [hbm:s5], s21  }
0x16: {  	_ =	swait.ge [sflag:s23], s21  }
0x17: {  	s4 =	ssub.s32 $0x0, s21;
	[sflag:s23] =	ssyncset.done $0x0  }
0x18: {  	[sflag:s23] =	ssyncadd.s32 s4;
	_ =	sdelay $0x1  }
0x19: {  	s24 =	simm.s32 $0x1B8B  }
0x1a: {  	_ =	swait.ge [sflag:s24], $0x1  }
0x1b: {  	[sflag:s24] =	ssyncset.done $0x0  }
0x1c: {  	s26 =	simm.s32 $0x1B8E;
	s25 =	sld [smem:$0x3FFE];
	[sflag:s24] =	ssyncadd.s32 $0xFFFFFFFF  }
0x1d: {  	s27 =	simm.s32 $execute0_lowered;
	[smem:$0x3FD2] =	sst s26  }
0x1e: {  	s5 =	sshll.u32 s27, $0x1;
	_ =	strace $0x80000046;
	[dreg:$0x1] =	wrdreg $0xFFFFFFFF  }
0x1f: {  	s28 =	simm.s32 $_size_execute0_lowered;
	s3 =	sadd.s32 s3, s5;
	[dreg:$0x0] =	wrdreg $0x0  }
0x20: {  	s5 =	sshll.u32 s28, $0x1;
	[dreg:$0x2] =	wrdreg s3  }
0x21: {  	[dreg:$0x3] =	wrdreg s5  }
0x22: {  	[dreg:$0x4] =	wrdreg $0xC0  }
0x23: {  	_ =	task [dreg:s7], $0x5FFFF  }
0x24: {  	[dreg:$0x1] =	wrdreg $0xFFFFFFFF  }
0x25: {  	[dreg:$0x0] =	wrdreg $0x60  }
0x26: {  	[dreg:$0x2] =	wrdreg s2  }
0x27: {  	[dreg:$0x3] =	wrdreg s25  }
0x28: {  	[dreg:$0x4] =	wrdreg $0x9  }
0x29: {  	_ =	task.clear_ibuf [dreg:s7], $0x5FFFF;
	_ =	strace $0x90000046  }
0x2a: {  	s29 =	simm.s32 $0x9;
	_ =	strace $0x80000048  }
0x2b: {  	_ =	swait.ge [sflag:s29], $0x1  }
0x2c: {  	[sflag:s29] =	ssyncadd.s32 $0xFFFFFFFF  }
0x2d: {  	_ =	strace $0x90000048  }
0x2e: {  	_ =	sfence  }
0x2f: {  	s30 =	sld [smem:$0x0];
	_ =	sdelay $0x2  }
0x30: {  	s31 =	sshll.u32 s1, $0xD;
	s1 =	sshrl.u32 s1, $0x2  }
0x31: {  	s3 =	sand.u32 $0x4000, s31;
	s1 =	sadd.s32 s1, s30  }
0x32: {  	s0 =	sor.u32 s3, s0;
	s1 =	sshll.u32 s1, $0x11  }
0x33: {  	s0 =	sor.u32 s1, s0  }
0x34: {  	s0 =	sadd.s32 $0x8F2B, s0  }
0x35: {  	[sflag:s0] =	ssyncadd.remote.s32 $0x1  }
0x36: {  	_ =	sfence.sel $0xFFFF  }
0x37: {  	[dreg:$0x0] =	wrdreg $0xFFFFFFFF;
	(pc) =	sbr.abs _section_cstart, $3  }
0x38: {  	[dreg:$0x1] =	wrdreg $0xFFFFFFFF  }
0x39: {  	_ =	task.clear_ibuf [dreg:s7], $0x2FFFF;
	_ =	strace $0x9FFFFFFF  }
0x3a: {  	(tm) =	ssettm $0x7FFFFFFF  }
0x3b: {  	_ =	shalt  }
tec
execute0_lowered:
.L_overlay_start_1:
0x0: {  	(tag) =	ssettag $0x1  }
0x1: {  	s1 =	stileid.u32  }
0x2: {  	s0 =	srdreg.scid;
	s3 =	rddreg [dreg:$0x0]  }
0x3: {  	s31 =	rddreg [dreg:$0x1];
	_ =	strace $0x80000047;
	s8 =	simm.s32 $0x2  }
0x4: {  	s19 =	simm.s32 $0x0;
	s11 =	simm.s32 $0x400;
	s12 =	simm.s32 $0x0  }
0x5: {  	s18 =	simm.s32 $0x0;
	s2 =	sshll.u32 s1, $0x7;
	s0 =	sshll.u32 s0, $0x7  }
0x6: {  	s20 =	simm.s32 $0x0;
	s4 =	sand.u32 $0x80, s0;
	s30 =	ssub.s32 $0xC300, s2  }
0x7: {  	s13 =	simm.s32 $0x0;
	s0 =	sshrl.u32 s30, $0xB;
	s5 =	ssub.s32 $0x100, s4  }
0x8: {  	s14 =	simm.s32 $0x0;
	s6 =	sshrl.u32 s5, $0x7;
	s0 =	smul.u32 $0x3, s0  }
.Ltmp0:
0x9: {  	s7 =	sshrl.u32 s5, $0x8;
	s6 =	sand.u32 $0x1, s6;
	(pc) =	sbr.rel .LBB1_1-.Ltmp0, $4  }
0xa: {  	s16 =	simm.s32 $0x0;
	s6 =	sadd.s32 s7, s6;
	s0 =	sadd.s32 $0x3, s0  }
0xb: {  	s17 =	simm.s32 $0x0;
	s5 =	simm.s32 $0x1;
	s6 =	smul.u32 s0, s6  }
0xc: {  	s15 =	smov.u32 s2;
	[sflag:s5] =	ssyncpa.u1 $0x0;
	s7 =	sadd.s32 $0x1C00, s31  }
0xd: {  	[sflag:s8] =	ssyncpa.u1 $0x0;
	s8 =	sshll.u32 s4, $0x3;
	s9 =	sadd.s32 $0x1, s6  }
.LBB1_9:
0xe: {  	p0 =	sgt.s32 s14, $0x3;
	s0 =	smov.u32 s14  }
0xf: {  	s0 =	simm.s32 @!p0 $0x3  }
0x10: {  	s0 =	sadd.s32 s21, s0  }
0x11: {  	s0 =	sadd.s32 $0xFFFFFFFD, s0  }
0x12: {  	s1 =	sshll.u32 s17, $0xE;
	s26 =	sshll.u32 s14, $0x7;
	s10 =	sshll.u32 s0, $0x7  }
0x13: {  	s27 =	sshll.u32 s20, $0x2;
	p0 =	sgt.s32 s0, $0x0;
	s0 =	ssub.s32 $0x80, s10  }
0x14: {  	s29 =	sshll.u32 s13, $0x7;
	s28 =	sand.u32 $0x180, s26;
	s0 =	simm.s32 @p0 $0x0  }
0x15: {  	s31 =	simm.s32 $0x80;
	s10 =	sor.u32 s28, s27;
	s0 =	smul.u32 s22, s0  }
0x16: {  	s1 =	sand.u32 $0x4000, s1;
	s30 =	sadd.s32 s7, s29;
	s10 =	sshrl.u32 s10, $0x3  }
0x17: {  	s1 =	sor.u32 $0x8000, s1;
	s10 =	sadd.s32 s10, s30;
	s0 =	sand.u32 $0x3FFFFF80, s0  }
0x18: {  	[hbm4b:s10+s31] =	stream.strided.scatter [tilespmem:s1], [sflag:$0x2], s0, s11, s31, $0x38;
	[tilespmem:$0x10000] =	vst v63  }
.LBB1_10:
0x19: {  	p0 =	slt.u32 s17, $0x2  }
0x1a: {  	p1 =	sgt.s32 @!p0 s19, $0xC2D0  }
0x1b: {  	s0 =	smov.u32 s19;
	s10 =	smov.u32 s18;
	p1 =	por !p1, p0  }
0x1c: {  	s1 =	sshra.s32 @!p0 s19, $0x1F;
	s0 =	simm.s32 @p1 $0xC2D0;
	p1 =	sgt.s32 @!p0 s18, $0x3  }
0x1d: {  	s1 =	sand.u32 @!p0 s1, s19;
	s19 =	sshra.s32 @!p0 s18, $0x1F;
	p1 =	por !p1, p0  }
0x1e: {  	s0 =	ssub.s32 @!p0 s0, s1;
	s1 =	sand.u32 @!p0 s19, s18;
	s10 =	simm.s32 @p1 $0x3  }
0x1f: {  	s1 =	ssub.s32 @!p0 s10, s1  }
0x20: {  	s18 =	sadd.s32 @!p0 $0xFFFF3D30, s0;
	s0 =	ssub.s32 @!p0 $0xC350, s0;
	s1 =	sadd.s32 @!p0 $0xFFFFFFFD, s1  }
0x21: {  	p1 =	sgt.s32 @!p0 s18, $0x7F;
	p2 =	sgt.s32 @!p0 s1, $0x0;
	s1 =	sshll.u32 @!p0 s1, $0x7  }
0x22: {  	p1 =	por !p1, p0;
	s1 =	ssub.s32 @!p0 $0x80, s1;
	p2 =	por !p2, p0  }
0x23: {  	s0 =	simm.s32 @!p1 $0x0;
	s1 =	simm.s32 @!p2 $0x0  }
0x24: {  	s0 =	smul.u32 @!p0 s0, s1;
	s1 =	sadd.s32 $0x800, s15  }
0x25: {  	s10 =	simm.s32 $0x1;
	p1 =	sgt.s32 s1, $0xC34F  }
0x26: {  	s10 =	simm.s32 @!p1 $0x0  }
0x27: {  	s10 =	sadd.s32 s10, s16  }
0x28: {  	s1 =	smov.u32 @p1 s2;
	p1 =	sgt.s32 s10, $0x2  }
0x29: {  	s12 =	sadd.s32 $0x4000, s12;
	s10 =	simm.s32 @p1 $0x0;
	p1 =	sne.s32 s17, s9  }
.Ltmp1:
0x2a: {  	s20 =	simm.s32 @!p0 $0x2;
	s19 =	smov.u32 s13;
	(pc) =	sbr.rel @!p1 .LBB1_11-.Ltmp1, $4  }
0x2b: {  	s13 =	smov.u32 s15;
	s18 =	smov.u32 s14;
	s0 =	sand.u32 @!p0 $0x3FFFFF80, s0  }
0x2c: {  	s14 =	smov.u32 s16;
	_ =	swait.ge @!p0 [sflag:s20], s0;
	s0 =	ssub.s32 @!p0 $0x0, s0  }
0x2d: {  	s15 =	smov.u32 s1;
	[sflag:s20] =	ssyncset.done @!p0 $0x0;
	s17 =	sadd.s32 $0x1, s17  }
0x2e: {  	[sflag:s20] =	ssyncadd.s32 @!p0 s0;
	s20 =	smov.u32 s4;
	s16 =	smov.u32 s10  }
.LBB1_1:
0x2f: {  	p0 =	sge.u32 s17, s6  }
0x30: {  	s21 =	smov.u32 s16;
	s0 =	sshll.u32 @!p0 s15, $0x8;
	s1 =	sshll.u32 @!p0 s15, $0x7  }
0x31: {  	p1 =	sgt.s32 @!p0 s15, $0xC2D0;
	s10 =	sshra.s32 @!p0 s15, $0x1F;
	p2 =	sgt.s32 @!p0 s16, $0x2  }
0x32: {  	s22 =	sshra.s32 @!p0 s16, $0x1F;
	s0 =	sand.u32 @!p0 $0xFFFFF800, s0;
	s1 =	sand.u32 @!p0 $0x300, s1  }
0x33: {  	p1 =	por !p1, p0;
	s10 =	sand.u32 @!p0 s10, s15;
	s0 =	sor.u32 @!p0 s8, s0  }
0x34: {  	s22 =	sand.u32 @!p0 s22, s16;
	s0 =	sor.u32 @!p0 s1, s0;
	s1 =	smov.u32 s15  }
0x35: {  	s0 =	sshrl.u32 @!p0 s0, $0x8;
	s1 =	simm.s32 @p1 $0xC2D0;
	p1 =	por !p2, p0  }
0x36: {  	s1 =	ssub.s32 @!p0 s1, s10;
	s10 =	smulhi.u32 @!p0 $0x14F8B59, s0;
	s21 =	simm.s32 @p1 $0x2  }
0x37: {  	s31 =	sadd.s32 $0xFFFFFFFF, s17;
	s21 =	ssub.s32 @!p0 s21, s22;
	s22 =	sadd.s32 @!p0 $0xFFFF3D30, s1  }
0x38: {  	s1 =	ssub.s32 @!p0 $0xC350, s1;
	s10 =	sshrl.u32 @!p0 s10, $0x8;
	s21 =	sadd.s32 @!p0 $0xFFFFFFFE, s21  }
0x39: {  	p1 =	sgt.s32 @!p0 s22, $0x7F;
	s22 =	sxor.u32 @!p0 $0xFFFFFFFF, s17;
	s10 =	smul.u32 @!p0 $0xC350, s10  }
0x3a: {  	p2 =	sgt.s32 @!p0 s21, $0x0;
	p1 =	por !p1, p0;
	s21 =	sshll.u32 @!p0 s21, $0x7  }
0x3b: {  	s1 =	simm.s32 @!p1 $0x0;
	s21 =	ssub.s32 @!p0 $0x80, s21;
	p1 =	por !p2, p0  }
0x3c: {  	s0 =	ssub.s32 @!p0 s0, s10;
	s21 =	simm.s32 @!p1 $0x0;
	s10 =	smul.u32 @!p0 $0x186A00, s16  }
0x3d: {  	s22 =	sshll.u32 @!p0 s22, $0xE;
	s1 =	smul.u32 @!p0 s1, s21;
	s21 =	sshll.u32 @!p0 s15, $0x4  }
0x3e: {  	s22 =	sand.u32 @!p0 $0x4000, s22;
	s21 =	sand.u32 @!p0 $0x10, s21;
	s10 =	sadd.s32 @!p0 s3, s10  }
0x3f: {  	s0 =	sshll.u32 @!p0 s0, $0x5;
	s1 =	sand.u32 @!p0 $0x3FFFFF80, s1;
	s10 =	sadd.s32 @!p0 s21, s10  }
0x40: {  	s21 =	simm.s32 @!p0 $0x800;
	s0 =	sadd.s32 @!p0 s0, s10;
	s10 =	simm.s32 @!p0 $0x400  }
0x41: {  	[tilespmem:s22], [sflag:$0x1] =	stream.strided.gather @!p0 [hbm4b:s0+s10], s1, s21, s10, $0x38;
	[tilespmem:$0x10000] =	vst v63  }
0x42: {  	p0 =	sge.u32 s31, s6  }
.Ltmp2:
0x43: {  	_ = 	snop;
	(pc) =	sbr.rel @p0 .LBB1_10-.Ltmp2, $1  }
0x44: {  	_ =	sdelay $0x3  }
0x45: {  	s0 =	ssub.s32 $0x0, s14;
	s1 =	sshra.s32 s14, $0x1F  }
0x46: {  	p0 =	sgt.s32 s14, $0x2;
	s21 =	sand.u32 s0, s1;
	s0 =	smov.u32 s14  }
0x47: {  	s10 =	sshra.s32 s13, $0x1F;
	s0 =	simm.s32 @!p0 $0x2  }
0x48: {  	s1 =	smov.u32 s13;
	p0 =	sgt.s32 s13, $0xC2D0;
	s0 =	sadd.s32 s21, s0  }
0x49: {  	s10 =	sand.u32 s10, s13;
	s1 =	simm.s32 @!p0 $0xC2D0;
	s0 =	sadd.s32 $0xFFFFFFFE, s0  }
0x4a: {  	s1 =	ssub.s32 s1, s10;
	p0 =	sgt.s32 s0, $0x0  }
0x4b: {  	s10 =	sadd.s32 $0xFFFF3D30, s1;
	s22 =	ssub.s32 $0xC350, s1;
	s0 =	sshll.u32 s0, $0x7  }
0x4c: {  	s1 =	sadd.s32 $0x1, s14;
	p1 =	sgt.s32 s10, $0x7F;
	s0 =	ssub.s32 $0x80, s0  }
0x4d: {  	s10 =	sadd.s32 $0x80, s13;
	s0 =	simm.s32 @p0 $0x0;
	p0 =	slt.s32 s1, $0x3  }
0x4e: {  	s1 =	simm.s32 @!p0 $0x3;
	p0 =	slt.s32 s10, $0xC350  }
0x4f: {  	s23 =	ssub.s32 s1, s14;
	s10 =	simm.s32 @!p0 $0xC350  }
0x50: {  	s24 =	ssub.s32 s10, s13;
	p0 =	slt.s32 s23, $0x1  }
0x51: {  	s22 =	simm.s32 @p1 $0x0;
	p1 =	slt.s32 @!p0 s24, $0x1  }
0x52: {  	s0 =	smul.u32 s22, s0;
	p0 =	por p0, p1  }
.Ltmp3:
0x53: {  	_ = 	snop;
	(pc) =	sbr.rel @p0 .LBB1_9-.Ltmp3, $4  }
0x54: {  	s0 =	sand.u32 $0x3FFFFF80, s0  }
0x55: {  	_ =	swait.ge [sflag:s5], s0  }
0x56: {  	s0 =	ssub.s32 $0x0, s0;
	[sflag:s5] =	ssyncset.done $0x0  }
0x57: {  	[sflag:s5] =	ssyncadd.s32 s0  }
0x58: {  	s0 =	sshll.u32 s12, $0x2  }
0x59: {  	s0 =	sand.u32 $0x10000, s0  }
0x5a: {  	s25 =	sshrl.u32 s0, $0x2;
	s0 =	sshrl.u32 s0, $0x2  }
0x5b: {  	s27 =	simm.s32 $0x0;
	s28 =	simm.s32 $0x0;
	s26 =	sor.u32 $0x8000, s0  }
.LBB1_4:
0x5c: {  	s0 =	sand.u32 $0x3, s27  }
0x5d: {  	s0 =	sshll.u32 s0, $0x7  }
0x5e: {  	s30 =	simm.s32 $0x0;
	s31 =	simm.s32 $0x0;
	s10 =	sadd.s32 s0, s26  }
.LBB1_5:
0x5f: {  	s0 =	sand.u32 $0x3F80, s30  }
0x60: {  	s29 =	smov.u32 s10;
	s1 =	sadd.s32 s0, s25;
	s0 =	simm.s32 $0xFFFFFFF0  }
.LBB1_6:
0x61: {  	s0 =	sadd.s32 $0x10, s0  }
0x62: {  	v0 =	vld [tilespmem:s1+$0x0];
	p0 =	slt.u32 s0, $0x70  }
.Ltmp4:
0x63: {  	_ = 	snop;
	(pc) =	sbr.rel @p0 .LBB1_6-.Ltmp4, $2  }
0x64: {  	_ =	sdelay $0x2  }
0x65: {  	s1 =	sadd.s32 $0x10, s1;
	[tilespmem:s29+$0x0] =	vst v0;
	s29 =	sadd.s32 $0x10, s29  }
0x66: {  	s31 =	sadd.s32 $0x1, s31  }
0x67: {  	p0 =	sne.s32 s31, s24  }
.Ltmp5:
0x68: {  	_ = 	snop;
	(pc) =	sbr.rel @p0 .LBB1_5-.Ltmp5, $2  }
0x69: {  	_ =	sdelay $0x2  }
0x6a: {  	s10 =	sadd.s32 $0x80, s10;
	s30 =	sadd.s32 $0x80, s30  }
0x6b: {  	s28 =	sadd.s32 $0x1, s28  }
0x6c: {  	p0 =	sne.s32 s28, s23  }
.Ltmp6:
0x6d: {  	_ = 	snop;
	(pc) =	sbr.rel @p0 .LBB1_4-.Ltmp6, $4  }
.Ltmp7:
0x6e: {  	_ = 	snop;
	(pc) =	sbr.rel @!p0 .LBB1_9-.Ltmp7, $4  }
0x6f: {  	_ = 	snop  }
0x70: {  	_ = 	snop  }
0x71: {  	s27 =	sadd.s32 $0x1, s27;
	s25 =	sadd.s32 $0x4000, s25  }
0x72: {  	_ = 	snop  }
.LBB1_11:
0x73: {  	_ =	sfence.sel $0x180000  }
0x74: {  	s0 =	simm.s32 $0x1;
	[bflag:$0x0] =	sbarrier.arrive $0xFFFF  }
0x75: {  	s30 =	simm.s32 $0x2;
	[sflag:s0] =	ssyncpa.u1 $0x1  }
0x76: {  	[sflag:s30] =	ssyncpa.u1 $0x1  }
0x77: {  	_ =	strace $0x90000047  }
0x78: {  	s31 =	stileid.u32;
	[bflag:$0x2] =	sbarrier.arrive $0xFFFF  }
0x79: {  	p0 =	sne.s32 s31, $0x0;
	s0 =	rddreg [dreg:$0x2]  }
0x7a: {  	s0 =	sadd.s32 @!p0 $0x100000, s0  }
0x7b: {  	[sflag:s0] =	ssyncadd.tile.s32 @!p0 $0x1;
	_ =	shalt  }
.Lfunc_end1:
_tile_overlayer_lowered:
.L_overlay_start_2:
0x7c: {  	(tag) =	ssettag $0x2  }
0x7d: {  	s0 =	rddreg [dreg:$0x0];
	s2 =	stileid.u32  }
0x7e: {  	s1 =	rddreg [dreg:$0x1];
	p0 =	sne.s32 s2, $0x0  }
0x7f: {  	s3 =	rddreg [dreg:$0x2];
	[bflag:$0x3] =	sbarrier.arrive $0xFFFF;
	s2 =	simm.s32 @!p0 $0x1C01  }
0x80: {  	[timem:s3], [sflag:s2] =	dma.local @!p0 [hbm:s0], s1  }
0x81: {  	s0 =	simm.s32 @!p0 $0x1  }
0x82: {  	_ =	swait.ge @!p0 [sflag:s0], s1  }
0x83: {  	s1 =	ssub.s32 @!p0 $0x0, s1;
	[sflag:s0] =	ssyncset.done @!p0 $0x0  }
0x84: {  	[sflag:s0] =	ssyncadd.s32 @!p0 s1  }
0x85: {  	[bflag:$0x3] =	sbarrier.arrive $0xFFFF  }
0x86: {  	_ =	shalt  }

</sc_bundles>
